<compile_context>
chip_gen: v7x
topology: tpu7x:2x2x1
jax: 0.10.2.dev20260603
libtpu: 0.0.44.dev20260713+nightly
codegen_flags: <defaults>
</compile_context>

<pallas_src>
import functools

import jax
import jax.numpy as jnp
from jax import lax
from jax.experimental import pallas as pl
from jax.experimental.pallas import tpu as pltpu
from jax.experimental.pallas import tpu_sc as plsc

_NC = 2
_NS = 16
_NW = _NC * _NS


def _dist_body(zf_ref, cb_ref, zsq_ref, wsq_ref, idx_ref, dsum_ref, *, T, K):
    zb = zf_ref[...]
    cb = cb_ref[...]
    zw = lax.dot_general(zb, cb, (((1,), (1,)), ((), ())),
                         preferred_element_type=jnp.float32)
    zsq = jnp.swapaxes(zsq_ref[0], 0, 1)
    wsq = wsq_ref[...]
    d2 = (zsq + wsq) - 2.0 * zw
    dist = jnp.sqrt(jnp.maximum(d2, 0.0))
    rowmin = jnp.min(dist, axis=1, keepdims=True)
    kiota = lax.broadcasted_iota(jnp.int32, (T, K), 1)
    idx = jnp.min(jnp.where(dist == rowmin, kiota, K), axis=1)
    idx_ref[0, 0, :] = idx.astype(jnp.int32)

    @pl.when(pl.program_id(0) == 0)
    def _():
        dsum_ref[0, 0] = 0.0

    dsum_ref[0, 0] += jnp.sum(rowmin * rowmin)


def _distances_argmin(z_flat, codebook, T):
    N, D = z_flat.shape
    K = codebook.shape[0]
    nb = N // T
    z_sq = jnp.sum(z_flat ** 2, axis=1)
    w_sq = jnp.sum(codebook ** 2, axis=1)
    idx3, dsum = pl.pallas_call(
        functools.partial(_dist_body, T=T, K=K),
        grid=(nb,),
        in_specs=[
            pl.BlockSpec((T, D), lambda i: (i, 0)),
            pl.BlockSpec((K, D), lambda i: (0, 0)),
            pl.BlockSpec((1, 1, T), lambda i: (i, 0, 0)),
            pl.BlockSpec((1, K), lambda i: (0, 0)),
        ],
        out_specs=[
            pl.BlockSpec((1, 1, T), lambda i: (i, 0, 0)),
            pl.BlockSpec(memory_space=pltpu.SMEM),
        ],
        out_shape=[
            jax.ShapeDtypeStruct((nb, 1, T), jnp.int32),
            jax.ShapeDtypeStruct((1, 1), jnp.float32),
        ],
    )(z_flat, codebook, z_sq.reshape(nb, 1, T), w_sq.reshape(1, K))
    return idx3.reshape(N), dsum


def _sc_body(cb_hbm, idx_hbm, zeros_hbm, q_hbm, cnt_hbm,
             idx_v, rows_v, cnt_v, sem, *, BPW, CH, K):
    c = lax.axis_index("c")
    s = lax.axis_index("s")
    w = s * _NC + c
    nch = BPW // CH

    pltpu.sync_copy(idx_hbm.at[w], idx_v)
    pltpu.sync_copy(zeros_hbm, cnt_v)
    for j in range(nch):
        pltpu.async_copy(cb_hbm.at[idx_v.at[j]],
                         rows_v.at[pl.ds(j * CH, CH)], sem).wait()
        for o in range(0, CH, 16):
            ivec = idx_v[j, pl.ds(o, 16)]
            plsc.addupdate_scatter(cnt_v, [ivec], jnp.ones((16,), jnp.int32))
    pltpu.sync_copy(rows_v, q_hbm.at[pl.ds(w * BPW, BPW)])
    pltpu.sync_copy(cnt_v, cnt_hbm.at[w])


def _sc_gather_counts(codebook, idx, N, K):
    D = codebook.shape[1]
    DP = 128
    cb_pad = jnp.pad(codebook, ((0, 0), (0, DP - D)))
    BPW = N // _NW
    CH = 128
    nch = BPW // CH
    idx3 = idx.reshape(_NW, nch, CH)
    zeros = jnp.zeros((K,), jnp.int32)
    mesh = plsc.VectorSubcoreMesh(core_axis_name="c", subcore_axis_name="s",
                                  num_cores=_NC, num_subcores=_NS)
    fn = pl.kernel(
        functools.partial(_sc_body, BPW=BPW, CH=CH, K=K),
        out_type=[
            jax.ShapeDtypeStruct((N, DP), jnp.float32),
            jax.ShapeDtypeStruct((_NW, K), jnp.int32),
        ],
        mesh=mesh,
        compiler_params=pltpu.CompilerParams(needs_layout_passes=False),
        scratch_types=[
            pltpu.VMEM((nch, CH), jnp.int32),
            pltpu.VMEM((BPW, DP), jnp.float32),
            pltpu.VMEM((K,), jnp.int32),
            pltpu.SemaphoreType.DMA,
        ],
    )
    q_pad, cnt = fn(cb_pad, idx3, zeros)
    return q_pad[:, :D], cnt


def _final_body(cnt_ref, dsum_ref, vq_ref, perp_ref, act_ref, *, K, N, ND):
    cnt = cnt_ref[...]
    c01 = jnp.sum(cnt, axis=0, keepdims=True)
    counts = c01.astype(jnp.float32)
    probs = counts * (1.0 / N)
    ent = probs * jnp.log(probs + 1e-10)
    perp_ref[0, 0] = jnp.exp(-jnp.sum(ent))
    act_ref[0, 0] = jnp.sum((c01 > 0).astype(jnp.int32))
    m = dsum_ref[0, 0] * (1.0 / ND)
    vq_ref[0, 0] = m + 0.25 * m


def _finalize(cnt, dsum, N, K, ND):
    cnt2 = cnt
    vq, perp, act = pl.pallas_call(
        functools.partial(_final_body, K=K, N=N, ND=ND),
        in_specs=[
            pl.BlockSpec(cnt2.shape, lambda: (0, 0)),
            pl.BlockSpec(memory_space=pltpu.SMEM),
        ],
        out_specs=[
            pl.BlockSpec(memory_space=pltpu.SMEM),
            pl.BlockSpec(memory_space=pltpu.SMEM),
            pl.BlockSpec(memory_space=pltpu.SMEM),
        ],
        out_shape=[
            jax.ShapeDtypeStruct((1, 1), jnp.float32),
            jax.ShapeDtypeStruct((1, 1), jnp.float32),
            jax.ShapeDtypeStruct((1, 1), jnp.int32),
        ],
    )(cnt2, dsum)
    return vq[0, 0], perp[0, 0], act[0, 0]


def kernel(z, codebook):
    orig_shape = z.shape
    B, C = z.shape[0], z.shape[1]
    K, D = codebook.shape
    z_flat = z.reshape(B, C, -1).transpose(0, 2, 1).reshape(-1, C)
    N = z_flat.shape[0]

    idx, dsum = _distances_argmin(z_flat, codebook, T=4096)
    q_flat, cnt = _sc_gather_counts(codebook, idx, N, K)
    vq_loss, perplexity, active_codes = _finalize(cnt, dsum, N, K, N * D)

    quantized = q_flat.reshape(B, -1, C).transpose(0, 2, 1).reshape(orig_shape)
    return (quantized, idx, vq_loss, perplexity, active_codes)

# --- scband reference (transcript-rebuilt; emitter-appended) ---
"""Pipeline reference for scband-vector-quantizer-66571993088827 (READ-ONLY COPY).

The authoritative reference and input builder live on the scoring server;
editing this copy changes nothing except your own understanding.
"""

import jax, jax.numpy as jnp
import numpy as np


def setup_inputs(seed: int = 0) -> dict:
    key = jax.random.key(seed)
    k1, k2 = jax.random.split(key)
    B, C, H, W_sp = 16, 64, 32, 32
    K, D = 1024, 64
    z = jax.random.normal(k1, (B, C, H, W_sp), dtype=jnp.float32)
    codebook = jax.random.uniform(k2, (K, D), dtype=jnp.float32, minval=-1.0 / K, maxval=1.0 / K)
    return {"z": z, "codebook": codebook}


def reference(z, codebook):
    commitment_cost = 0.25
    orig_shape = z.shape
    B, C = z.shape[0], z.shape[1]
    # flatten (B, C, H, W) -> (B*H*W, C)
    z_flat = z.reshape(B, C, -1).transpose(0, 2, 1).reshape(-1, C)
    # torch.cdist(z_flat, codebook, p=2) via ||a||^2 + ||b||^2 - 2ab
    z_sq = jnp.sum(z_flat ** 2, axis=1, keepdims=True)
    w_sq = jnp.sum(codebook ** 2, axis=1)
    d2 = z_sq + w_sq[None, :] - 2.0 * (z_flat @ codebook.T)
    distances = jnp.sqrt(jnp.clip(d2, 0.0, None))
    indices = jnp.argmin(distances, axis=1)
    quantized_flat = jnp.take(codebook, indices, axis=0)
    quantized = quantized_flat.reshape(B, -1, C).transpose(0, 2, 1).reshape(orig_shape)
    # training-mode losses
    commitment_loss = jnp.mean((z - jax.lax.stop_gradient(quantized)) ** 2)
    codebook_loss = jnp.mean((quantized - jax.lax.stop_gradient(z)) ** 2)
    vq_loss = codebook_loss + commitment_cost * commitment_loss
    # straight-through estimator
    quantized_st = z + jax.lax.stop_gradient(quantized - z)
    # perplexity (zero-count codes contribute ~0 to entropy, matching torch unique-based calc)
    N = indices.shape[0]
    counts = jnp.bincount(indices, length=codebook.shape[0])
    probs = counts.astype(jnp.float32) / N
    perplexity = jnp.exp(-jnp.sum(probs * jnp.log(probs + 1e-10)))
    active_codes = jnp.sum(counts > 0)
    return (quantized_st, indices, vq_loss, perplexity, active_codes)

if __name__ == "__main__":
    import jax
    _d = setup_inputs()
    print(jax.jit(kernel)(*tuple(_d.values())))

</pallas_src>

<mosaic_0001>
#map = affine_map<(d0, d1) -> (0, 0)>
#map1 = affine_map<(d0, d1) -> (0, 0, 0)>
#map2 = affine_map<(d0, d1) -> (0)>
module attributes {stable_mosaic.version = 14 : i64} {
  func.func @_sc_body(%arg0: i32, %arg1: i32, %arg2: memref<1024x128xf32, #tpu.memory_space<hbm>>, %arg3: memref<32x4x128xi32, #tpu.memory_space<hbm>>, %arg4: memref<1024xi32, #tpu.memory_space<hbm>>, %arg5: memref<16384x128xf32, #tpu.memory_space<hbm>>, %arg6: memref<32x1024xi32, #tpu.memory_space<hbm>>, %arg7: memref<4x128xi32, #tpu.memory_space<vmem>>, %arg8: memref<512x128xf32, #tpu.memory_space<vmem>>, %arg9: memref<1024xi32, #tpu.memory_space<vmem>>, %arg10: memref<!tpu.dma_semaphore, #tpu.memory_space<semaphore_mem>>) attributes {dimension_semantics = [#tpu.dimension_semantics<core_parallel>, #tpu.dimension_semantics<subcore_parallel>], iteration_bounds = array<i64: 2, 16>, scalar_prefetch = 0 : i64, scratch_operands = 4 : i64, tpu.core_type = #tpu.core_type<sc_vector_subcore>, window_params = [{transform_indices = #map}, {transform_indices = #map1}, {transform_indices = #map2}, {transform_indices = #map}, {transform_indices = #map}]} {
    %mul3A = arith.constant 2 : i32
    %mul3A_0 = arith.muli %arg1, %mul3A : i32
    %add3A = arith.addi %mul3A_0, %arg0 : i32
    "tpu.region"() ({
      %run_scoped3A = tpu.sem_alloc : memref<!tpu.dma_semaphore, #tpu.memory_space<semaphore_mem>>
      %dma_start3A_271 = arith.constant 0 : i32
      %dma_start3A_272 = arith.constant 0 : i32
      %dma_start3A_273 = tpu.memref_slice %arg3[%add3A, %dma_start3A_271, %dma_start3A_272] : memref<32x4x128xi32, #tpu.memory_space<hbm>> -> memref<1x4x128xi32, #tpu.memory_space<hbm>>
      %dma_start3A_274 = tpu.memref_squeeze %dma_start3A_273 : memref<1x4x128xi32, #tpu.memory_space<hbm>> -> memref<4x128xi32, #tpu.memory_space<hbm>>
      %dma_start3A_275 = arith.constant 0 : i32
      %dma_start3A_276 = arith.constant 0 : i32
      %dma_start3A_277 = tpu.memref_slice %arg3[%add3A, %dma_start3A_275, %dma_start3A_276] : memref<32x4x128xi32, #tpu.memory_space<hbm>> -> memref<1x4x128xi32, #tpu.memory_space<hbm>>
      %dma_start3A_278 = tpu.memref_squeeze %dma_start3A_277 : memref<1x4x128xi32, #tpu.memory_space<hbm>> -> memref<4x128xi32, #tpu.memory_space<hbm>>
      tpu.enqueue_dma source(%dma_start3A_278 : memref<4x128xi32, #tpu.memory_space<hbm>>) target(%arg7 : memref<4x128xi32, #tpu.memory_space<vmem>>) target_semaphore(%run_scoped3A : memref<!tpu.dma_semaphore, #tpu.memory_space<semaphore_mem>>)
      %dma_wait3A_279 = arith.constant 0 : i32
      %dma_wait3A_280 = arith.constant 0 : i32
      %dma_wait3A_281 = tpu.memref_slice %arg3[%add3A, %dma_wait3A_279, %dma_wait3A_280] : memref<32x4x128xi32, #tpu.memory_space<hbm>> -> memref<1x4x128xi32, #tpu.memory_space<hbm>>
      %dma_wait3A_282 = tpu.memref_squeeze %dma_wait3A_281 : memref<1x4x128xi32, #tpu.memory_space<hbm>> -> memref<4x128xi32, #tpu.memory_space<hbm>>
      %dma_wait3A_283 = arith.constant 0 : i32
      %dma_wait3A_284 = arith.constant 0 : i32
      %dma_wait3A_285 = tpu.memref_slice %arg3[%add3A, %dma_wait3A_283, %dma_wait3A_284] : memref<32x4x128xi32, #tpu.memory_space<hbm>> -> memref<1x4x128xi32, #tpu.memory_space<hbm>>
      %dma_wait3A_286 = tpu.memref_squeeze %dma_wait3A_285 : memref<1x4x128xi32, #tpu.memory_space<hbm>> -> memref<4x128xi32, #tpu.memory_space<hbm>>
      tpu.wait_dma2 semaphore(%run_scoped3A : memref<!tpu.dma_semaphore, #tpu.memory_space<semaphore_mem>>) src(%dma_wait3A_286 : memref<4x128xi32, #tpu.memory_space<hbm>>) dst(%arg7 : memref<4x128xi32, #tpu.memory_space<vmem>>)
      tpu.yield
    }) : () -> ()
    "tpu.region"() ({
      %run_scoped3A = tpu.sem_alloc : memref<!tpu.dma_semaphore, #tpu.memory_space<semaphore_mem>>
      tpu.enqueue_dma source(%arg4 : memref<1024xi32, #tpu.memory_space<hbm>>) target(%arg9 : memref<1024xi32, #tpu.memory_space<vmem>>) target_semaphore(%run_scoped3A : memref<!tpu.dma_semaphore, #tpu.memory_space<semaphore_mem>>)
      tpu.wait_dma2 semaphore(%run_scoped3A : memref<!tpu.dma_semaphore, #tpu.memory_space<semaphore_mem>>) src(%arg4 : memref<1024xi32, #tpu.memory_space<hbm>>) dst(%arg9 : memref<1024xi32, #tpu.memory_space<vmem>>)
      tpu.yield
    }) : () -> ()
    %dma_start3A = arith.constant 0 : i32
    %dma_start3A_1 = arith.constant 0 : i32
    %dma_start3A_2 = arith.constant 0 : i32
    %dma_start3A_3 = tpu.memref_slice %arg8[%dma_start3A_1, %dma_start3A_2] : memref<512x128xf32, #tpu.memory_space<vmem>> -> memref<128x128xf32, #tpu.memory_space<vmem>>
    %dma_start3A_4 = arith.constant 0 : i32
    %dma_start3A_5 = tpu.memref_slice %arg7[%dma_start3A, %dma_start3A_4] : memref<4x128xi32, #tpu.memory_space<vmem>> -> memref<1x128xi32, #tpu.memory_space<vmem>>
    %dma_start3A_6 = tpu.memref_squeeze %dma_start3A_5 : memref<1x128xi32, #tpu.memory_space<vmem>> -> memref<128xi32, #tpu.memory_space<vmem>>
    %dma_start3A_7 = arith.constant 0 : i32
    %dma_start3A_8 = arith.constant 0 : i32
    %dma_start3A_9 = tpu.memref_slice %arg2[%dma_start3A_7, %dma_start3A_8] : memref<1024x128xf32, #tpu.memory_space<hbm>> -> memref<1024x128xf32, #tpu.memory_space<hbm>>
    tpu.enqueue_indirect_dma source(%dma_start3A_9 : memref<1024x128xf32, #tpu.memory_space<hbm>>) target(%dma_start3A_3 : memref<128x128xf32, #tpu.memory_space<vmem>>) offsets(%dma_start3A_6 : memref<128xi32, #tpu.memory_space<vmem>>) semaphore(%arg10 : memref<!tpu.dma_semaphore, #tpu.memory_space<semaphore_mem>>)
    %dma_wait3A = arith.constant 0 : i32
    %dma_wait3A_10 = arith.constant 0 : i32
    %dma_wait3A_11 = arith.constant 0 : i32
    %dma_wait3A_12 = tpu.memref_slice %arg8[%dma_wait3A_10, %dma_wait3A_11] : memref<512x128xf32, #tpu.memory_space<vmem>> -> memref<128x128xf32, #tpu.memory_space<vmem>>
    %dma_wait3A_13 = arith.constant 0 : i32
    %dma_wait3A_14 = tpu.memref_slice %arg7[%dma_wait3A, %dma_wait3A_13] : memref<4x128xi32, #tpu.memory_space<vmem>> -> memref<1x128xi32, #tpu.memory_space<vmem>>
    %dma_wait3A_15 = tpu.memref_squeeze %dma_wait3A_14 : memref<1x128xi32, #tpu.memory_space<vmem>> -> memref<128xi32, #tpu.memory_space<vmem>>
    %dma_wait3A_16 = arith.constant 0 : i32
    %dma_wait3A_17 = arith.constant 0 : i32
    %dma_wait3A_18 = tpu.memref_slice %arg2[%dma_wait3A_16, %dma_wait3A_17] : memref<1024x128xf32, #tpu.memory_space<hbm>> -> memref<1024x128xf32, #tpu.memory_space<hbm>>
    tpu.wait_indirect_dma semaphore(%arg10 : memref<!tpu.dma_semaphore, #tpu.memory_space<semaphore_mem>>) src(%dma_wait3A_18 : memref<1024x128xf32, #tpu.memory_space<hbm>>) dst(%dma_wait3A_12 : memref<128x128xf32, #tpu.memory_space<vmem>>)
    %get3A = arith.constant 0 : i32
    %get3A_19 = arith.index_cast %get3A : i32 to index
    %get3A_20 = arith.constant 0 : index
    %get3A_21 = tpu.vector_load %arg7[%get3A_19, %get3A_20] {strides = array<i32>} : memref<4x128xi32, #tpu.memory_space<vmem>>, vector<16xi32>,
    %broadcast_in_dim3A = arith.constant 1 : i32
    %broadcast_in_dim3A_22 = vector.broadcast %broadcast_in_dim3A : i32 to vector<16xi32>
    tpu.vector_store_idx %arg9[%get3A_21], %broadcast_in_dim3A_22 {add = true} : memref<1024xi32, #tpu.memory_space<vmem>>[vector<16xi32>], vector<16xi32>,
    %get3A_23 = arith.constant 0 : i32
    %get3A_24 = arith.index_cast %get3A_23 : i32 to index
    %get3A_25 = arith.constant 16 : index
    %get3A_26 = tpu.vector_load %arg7[%get3A_24, %get3A_25] {strides = array<i32>} : memref<4x128xi32, #tpu.memory_space<vmem>>, vector<16xi32>,
    %broadcast_in_dim3A_27 = arith.constant 1 : i32
    %broadcast_in_dim3A_28 = vector.broadcast %broadcast_in_dim3A_27 : i32 to vector<16xi32>
    tpu.vector_store_idx %arg9[%get3A_26], %broadcast_in_dim3A_28 {add = true} : memref<1024xi32, #tpu.memory_space<vmem>>[vector<16xi32>], vector<16xi32>,
    %get3A_29 = arith.constant 0 : i32
    %get3A_30 = arith.index_cast %get3A_29 : i32 to index
    %get3A_31 = arith.constant 32 : index
    %get3A_32 = tpu.vector_load %arg7[%get3A_30, %get3A_31] {strides = array<i32>} : memref<4x128xi32, #tpu.memory_space<vmem>>, vector<16xi32>,
    %broadcast_in_dim3A_33 = arith.constant 1 : i32
    %broadcast_in_dim3A_34 = vector.broadcast %broadcast_in_dim3A_33 : i32 to vector<16xi32>
    tpu.vector_store_idx %arg9[%get3A_32], %broadcast_in_dim3A_34 {add = true} : memref<1024xi32, #tpu.memory_space<vmem>>[vector<16xi32>], vector<16xi32>,
    %get3A_35 = arith.constant 0 : i32
    %get3A_36 = arith.index_cast %get3A_35 : i32 to index
    %get3A_37 = arith.constant 48 : index
    %get3A_38 = tpu.vector_load %arg7[%get3A_36, %get3A_37] {strides = array<i32>} : memref<4x128xi32, #tpu.memory_space<vmem>>, vector<16xi32>,
    %broadcast_in_dim3A_39 = arith.constant 1 : i32
    %broadcast_in_dim3A_40 = vector.broadcast %broadcast_in_dim3A_39 : i32 to vector<16xi32>
    tpu.vector_store_idx %arg9[%get3A_38], %broadcast_in_dim3A_40 {add = true} : memref<1024xi32, #tpu.memory_space<vmem>>[vector<16xi32>], vector<16xi32>,
    %get3A_41 = arith.constant 0 : i32
    %get3A_42 = arith.index_cast %get3A_41 : i32 to index
    %get3A_43 = arith.constant 64 : index
    %get3A_44 = tpu.vector_load %arg7[%get3A_42, %get3A_43] {strides = array<i32>} : memref<4x128xi32, #tpu.memory_space<vmem>>, vector<16xi32>,
    %broadcast_in_dim3A_45 = arith.constant 1 : i32
    %broadcast_in_dim3A_46 = vector.broadcast %broadcast_in_dim3A_45 : i32 to vector<16xi32>
    tpu.vector_store_idx %arg9[%get3A_44], %broadcast_in_dim3A_46 {add = true} : memref<1024xi32, #tpu.memory_space<vmem>>[vector<16xi32>], vector<16xi32>,
    %get3A_47 = arith.constant 0 : i32
    %get3A_48 = arith.index_cast %get3A_47 : i32 to index
    %get3A_49 = arith.constant 80 : index
    %get3A_50 = tpu.vector_load %arg7[%get3A_48, %get3A_49] {strides = array<i32>} : memref<4x128xi32, #tpu.memory_space<vmem>>, vector<16xi32>,
    %broadcast_in_dim3A_51 = arith.constant 1 : i32
    %broadcast_in_dim3A_52 = vector.broadcast %broadcast_in_dim3A_51 : i32 to vector<16xi32>
    tpu.vector_store_idx %arg9[%get3A_50], %broadcast_in_dim3A_52 {add = true} : memref<1024xi32, #tpu.memory_space<vmem>>[vector<16xi32>], vector<16xi32>,
    %get3A_53 = arith.constant 0 : i32
    %get3A_54 = arith.index_cast %get3A_53 : i32 to index
    %get3A_55 = arith.constant 96 : index
    %get3A_56 = tpu.vector_load %arg7[%get3A_54, %get3A_55] {strides = array<i32>} : memref<4x128xi32, #tpu.memory_space<vmem>>, vector<16xi32>,
    %broadcast_in_dim3A_57 = arith.constant 1 : i32
    %broadcast_in_dim3A_58 = vector.broadcast %broadcast_in_dim3A_57 : i32 to vector<16xi32>
    tpu.vector_store_idx %arg9[%get3A_56], %broadcast_in_dim3A_58 {add = true} : memref<1024xi32, #tpu.memory_space<vmem>>[vector<16xi32>], vector<16xi32>,
    %get3A_59 = arith.constant 0 : i32
    %get3A_60 = arith.index_cast %get3A_59 : i32 to index
    %get3A_61 = arith.constant 112 : index
    %get3A_62 = tpu.vector_load %arg7[%get3A_60, %get3A_61] {strides = array<i32>} : memref<4x128xi32, #tpu.memory_space<vmem>>, vector<16xi32>,
    %broadcast_in_dim3A_63 = arith.constant 1 : i32
    %broadcast_in_dim3A_64 = vector.broadcast %broadcast_in_dim3A_63 : i32 to vector<16xi32>
    tpu.vector_store_idx %arg9[%get3A_62], %broadcast_in_dim3A_64 {add = true} : memref<1024xi32, #tpu.memory_space<vmem>>[vector<16xi32>], vector<16xi32>,
    %dma_start3A_65 = arith.constant 1 : i32
    %dma_start3A_66 = arith.constant 128 : i32
    %dma_start3A_67 = arith.constant 0 : i32
    %dma_start3A_68 = tpu.memref_slice %arg8[%dma_start3A_66, %dma_start3A_67] : memref<512x128xf32, #tpu.memory_space<vmem>> -> memref<128x128xf32, #tpu.memory_space<vmem>>
    %dma_start3A_69 = arith.constant 0 : i32
    %dma_start3A_70 = tpu.memref_slice %arg7[%dma_start3A_65, %dma_start3A_69] : memref<4x128xi32, #tpu.memory_space<vmem>> -> memref<1x128xi32, #tpu.memory_space<vmem>>
    %dma_start3A_71 = tpu.memref_squeeze %dma_start3A_70 : memref<1x128xi32, #tpu.memory_space<vmem>> -> memref<128xi32, #tpu.memory_space<vmem>>
    %dma_start3A_72 = arith.constant 0 : i32
    %dma_start3A_73 = arith.constant 0 : i32
    %dma_start3A_74 = tpu.memref_slice %arg2[%dma_start3A_72, %dma_start3A_73] : memref<1024x128xf32, #tpu.memory_space<hbm>> -> memref<1024x128xf32, #tpu.memory_space<hbm>>
    tpu.enqueue_indirect_dma source(%dma_start3A_74 : memref<1024x128xf32, #tpu.memory_space<hbm>>) target(%dma_start3A_68 : memref<128x128xf32, #tpu.memory_space<vmem>>) offsets(%dma_start3A_71 : memref<128xi32, #tpu.memory_space<vmem>>) semaphore(%arg10 : memref<!tpu.dma_semaphore, #tpu.memory_space<semaphore_mem>>)
    %dma_wait3A_75 = arith.constant 1 : i32
    %dma_wait3A_76 = arith.constant 128 : i32
    %dma_wait3A_77 = arith.constant 0 : i32
    %dma_wait3A_78 = tpu.memref_slice %arg8[%dma_wait3A_76, %dma_wait3A_77] : memref<512x128xf32, #tpu.memory_space<vmem>> -> memref<128x128xf32, #tpu.memory_space<vmem>>
    %dma_wait3A_79 = arith.constant 0 : i32
    %dma_wait3A_80 = tpu.memref_slice %arg7[%dma_wait3A_75, %dma_wait3A_79] : memref<4x128xi32, #tpu.memory_space<vmem>> -> memref<1x128xi32, #tpu.memory_space<vmem>>
    %dma_wait3A_81 = tpu.memref_squeeze %dma_wait3A_80 : memref<1x128xi32, #tpu.memory_space<vmem>> -> memref<128xi32, #tpu.memory_space<vmem>>
    %dma_wait3A_82 = arith.constant 0 : i32
    %dma_wait3A_83 = arith.constant 0 : i32
    %dma_wait3A_84 = tpu.memref_slice %arg2[%dma_wait3A_82, %dma_wait3A_83] : memref<1024x128xf32, #tpu.memory_space<hbm>> -> memref<1024x128xf32, #tpu.memory_space<hbm>>
    tpu.wait_indirect_dma semaphore(%arg10 : memref<!tpu.dma_semaphore, #tpu.memory_space<semaphore_mem>>) src(%dma_wait3A_84 : memref<1024x128xf32, #tpu.memory_space<hbm>>) dst(%dma_wait3A_78 : memref<128x128xf32, #tpu.memory_space<vmem>>)
    %get3A_85 = arith.constant 1 : i32
    %get3A_86 = arith.index_cast %get3A_85 : i32 to index
    %get3A_87 = arith.constant 0 : index
    %get3A_88 = tpu.vector_load %arg7[%get3A_86, %get3A_87] {strides = array<i32>} : memref<4x128xi32, #tpu.memory_space<vmem>>, vector<16xi32>,
    %broadcast_in_dim3A_89 = arith.constant 1 : i32
    %broadcast_in_dim3A_90 = vector.broadcast %broadcast_in_dim3A_89 : i32 to vector<16xi32>
    tpu.vector_store_idx %arg9[%get3A_88], %broadcast_in_dim3A_90 {add = true} : memref<1024xi32, #tpu.memory_space<vmem>>[vector<16xi32>], vector<16xi32>,
    %get3A_91 = arith.constant 1 : i32
    %get3A_92 = arith.index_cast %get3A_91 : i32 to index
    %get3A_93 = arith.constant 16 : index
    %get3A_94 = tpu.vector_load %arg7[%get3A_92, %get3A_93] {strides = array<i32>} : memref<4x128xi32, #tpu.memory_space<vmem>>, vector<16xi32>,
    %broadcast_in_dim3A_95 = arith.constant 1 : i32
    %broadcast_in_dim3A_96 = vector.broadcast %broadcast_in_dim3A_95 : i32 to vector<16xi32>
    tpu.vector_store_idx %arg9[%get3A_94], %broadcast_in_dim3A_96 {add = true} : memref<1024xi32, #tpu.memory_space<vmem>>[vector<16xi32>], vector<16xi32>,
    %get3A_97 = arith.constant 1 : i32
    %get3A_98 = arith.index_cast %get3A_97 : i32 to index
    %get3A_99 = arith.constant 32 : index
    %get3A_100 = tpu.vector_load %arg7[%get3A_98, %get3A_99] {strides = array<i32>} : memref<4x128xi32, #tpu.memory_space<vmem>>, vector<16xi32>,
    %broadcast_in_dim3A_101 = arith.constant 1 : i32
    %broadcast_in_dim3A_102 = vector.broadcast %broadcast_in_dim3A_101 : i32 to vector<16xi32>
    tpu.vector_store_idx %arg9[%get3A_100], %broadcast_in_dim3A_102 {add = true} : memref<1024xi32, #tpu.memory_space<vmem>>[vector<16xi32>], vector<16xi32>,
    %get3A_103 = arith.constant 1 : i32
    %get3A_104 = arith.index_cast %get3A_103 : i32 to index
    %get3A_105 = arith.constant 48 : index
    %get3A_106 = tpu.vector_load %arg7[%get3A_104, %get3A_105] {strides = array<i32>} : memref<4x128xi32, #tpu.memory_space<vmem>>, vector<16xi32>,
    %broadcast_in_dim3A_107 = arith.constant 1 : i32
    %broadcast_in_dim3A_108 = vector.broadcast %broadcast_in_dim3A_107 : i32 to vector<16xi32>
    tpu.vector_store_idx %arg9[%get3A_106], %broadcast_in_dim3A_108 {add = true} : memref<1024xi32, #tpu.memory_space<vmem>>[vector<16xi32>], vector<16xi32>,
    %get3A_109 = arith.constant 1 : i32
    %get3A_110 = arith.index_cast %get3A_109 : i32 to index
    %get3A_111 = arith.constant 64 : index
    %get3A_112 = tpu.vector_load %arg7[%get3A_110, %get3A_111] {strides = array<i32>} : memref<4x128xi32, #tpu.memory_space<vmem>>, vector<16xi32>,
    %broadcast_in_dim3A_113 = arith.constant 1 : i32
    %broadcast_in_dim3A_114 = vector.broadcast %broadcast_in_dim3A_113 : i32 to vector<16xi32>
    tpu.vector_store_idx %arg9[%get3A_112], %broadcast_in_dim3A_114 {add = true} : memref<1024xi32, #tpu.memory_space<vmem>>[vector<16xi32>], vector<16xi32>,
    %get3A_115 = arith.constant 1 : i32
    %get3A_116 = arith.index_cast %get3A_115 : i32 to index
    %get3A_117 = arith.constant 80 : index
    %get3A_118 = tpu.vector_load %arg7[%get3A_116, %get3A_117] {strides = array<i32>} : memref<4x128xi32, #tpu.memory_space<vmem>>, vector<16xi32>,
    %broadcast_in_dim3A_119 = arith.constant 1 : i32
    %broadcast_in_dim3A_120 = vector.broadcast %broadcast_in_dim3A_119 : i32 to vector<16xi32>
    tpu.vector_store_idx %arg9[%get3A_118], %broadcast_in_dim3A_120 {add = true} : memref<1024xi32, #tpu.memory_space<vmem>>[vector<16xi32>], vector<16xi32>,
    %get3A_121 = arith.constant 1 : i32
    %get3A_122 = arith.index_cast %get3A_121 : i32 to index
    %get3A_123 = arith.constant 96 : index
    %get3A_124 = tpu.vector_load %arg7[%get3A_122, %get3A_123] {strides = array<i32>} : memref<4x128xi32, #tpu.memory_space<vmem>>, vector<16xi32>,
    %broadcast_in_dim3A_125 = arith.constant 1 : i32
    %broadcast_in_dim3A_126 = vector.broadcast %broadcast_in_dim3A_125 : i32 to vector<16xi32>
    tpu.vector_store_idx %arg9[%get3A_124], %broadcast_in_dim3A_126 {add = true} : memref<1024xi32, #tpu.memory_space<vmem>>[vector<16xi32>], vector<16xi32>,
    %get3A_127 = arith.constant 1 : i32
    %get3A_128 = arith.index_cast %get3A_127 : i32 to index
    %get3A_129 = arith.constant 112 : index
    %get3A_130 = tpu.vector_load %arg7[%get3A_128, %get3A_129] {strides = array<i32>} : memref<4x128xi32, #tpu.memory_space<vmem>>, vector<16xi32>,
    %broadcast_in_dim3A_131 = arith.constant 1 : i32
    %broadcast_in_dim3A_132 = vector.broadcast %broadcast_in_dim3A_131 : i32 to vector<16xi32>
    tpu.vector_store_idx %arg9[%get3A_130], %broadcast_in_dim3A_132 {add = true} : memref<1024xi32, #tpu.memory_space<vmem>>[vector<16xi32>], vector<16xi32>,
    %dma_start3A_133 = arith.constant 2 : i32
    %dma_start3A_134 = arith.constant 256 : i32
    %dma_start3A_135 = arith.constant 0 : i32
    %dma_start3A_136 = tpu.memref_slice %arg8[%dma_start3A_134, %dma_start3A_135] : memref<512x128xf32, #tpu.memory_space<vmem>> -> memref<128x128xf32, #tpu.memory_space<vmem>>
    %dma_start3A_137 = arith.constant 0 : i32
    %dma_start3A_138 = tpu.memref_slice %arg7[%dma_start3A_133, %dma_start3A_137] : memref<4x128xi32, #tpu.memory_space<vmem>> -> memref<1x128xi32, #tpu.memory_space<vmem>>
    %dma_start3A_139 = tpu.memref_squeeze %dma_start3A_138 : memref<1x128xi32, #tpu.memory_space<vmem>> -> memref<128xi32, #tpu.memory_space<vmem>>
    %dma_start3A_140 = arith.constant 0 : i32
    %dma_start3A_141 = arith.constant 0 : i32
    %dma_start3A_142 = tpu.memref_slice %arg2[%dma_start3A_140, %dma_start3A_141] : memref<1024x128xf32, #tpu.memory_space<hbm>> -> memref<1024x128xf32, #tpu.memory_space<hbm>>
    tpu.enqueue_indirect_dma source(%dma_start3A_142 : memref<1024x128xf32, #tpu.memory_space<hbm>>) target(%dma_start3A_136 : memref<128x128xf32, #tpu.memory_space<vmem>>) offsets(%dma_start3A_139 : memref<128xi32, #tpu.memory_space<vmem>>) semaphore(%arg10 : memref<!tpu.dma_semaphore, #tpu.memory_space<semaphore_mem>>)
    %dma_wait3A_143 = arith.constant 2 : i32
    %dma_wait3A_144 = arith.constant 256 : i32
    %dma_wait3A_145 = arith.constant 0 : i32
    %dma_wait3A_146 = tpu.memref_slice %arg8[%dma_wait3A_144, %dma_wait3A_145] : memref<512x128xf32, #tpu.memory_space<vmem>> -> memref<128x128xf32, #tpu.memory_space<vmem>>
    %dma_wait3A_147 = arith.constant 0 : i32
    %dma_wait3A_148 = tpu.memref_slice %arg7[%dma_wait3A_143, %dma_wait3A_147] : memref<4x128xi32, #tpu.memory_space<vmem>> -> memref<1x128xi32, #tpu.memory_space<vmem>>
    %dma_wait3A_149 = tpu.memref_squeeze %dma_wait3A_148 : memref<1x128xi32, #tpu.memory_space<vmem>> -> memref<128xi32, #tpu.memory_space<vmem>>
    %dma_wait3A_150 = arith.constant 0 : i32
    %dma_wait3A_151 = arith.constant 0 : i32
    %dma_wait3A_152 = tpu.memref_slice %arg2[%dma_wait3A_150, %dma_wait3A_151] : memref<1024x128xf32, #tpu.memory_space<hbm>> -> memref<1024x128xf32, #tpu.memory_space<hbm>>
    tpu.wait_indirect_dma semaphore(%arg10 : memref<!tpu.dma_semaphore, #tpu.memory_space<semaphore_mem>>) src(%dma_wait3A_152 : memref<1024x128xf32, #tpu.memory_space<hbm>>) dst(%dma_wait3A_146 : memref<128x128xf32, #tpu.memory_space<vmem>>)
    %get3A_153 = arith.constant 2 : i32
    %get3A_154 = arith.index_cast %get3A_153 : i32 to index
    %get3A_155 = arith.constant 0 : index
    %get3A_156 = tpu.vector_load %arg7[%get3A_154, %get3A_155] {strides = array<i32>} : memref<4x128xi32, #tpu.memory_space<vmem>>, vector<16xi32>,
    %broadcast_in_dim3A_157 = arith.constant 1 : i32
    %broadcast_in_dim3A_158 = vector.broadcast %broadcast_in_dim3A_157 : i32 to vector<16xi32>
    tpu.vector_store_idx %arg9[%get3A_156], %broadcast_in_dim3A_158 {add = true} : memref<1024xi32, #tpu.memory_space<vmem>>[vector<16xi32>], vector<16xi32>,
    %get3A_159 = arith.constant 2 : i32
    %get3A_160 = arith.index_cast %get3A_159 : i32 to index
    %get3A_161 = arith.constant 16 : index
    %get3A_162 = tpu.vector_load %arg7[%get3A_160, %get3A_161] {strides = array<i32>} : memref<4x128xi32, #tpu.memory_space<vmem>>, vector<16xi32>,
    %broadcast_in_dim3A_163 = arith.constant 1 : i32
    %broadcast_in_dim3A_164 = vector.broadcast %broadcast_in_dim3A_163 : i32 to vector<16xi32>
    tpu.vector_store_idx %arg9[%get3A_162], %broadcast_in_dim3A_164 {add = true} : memref<1024xi32, #tpu.memory_space<vmem>>[vector<16xi32>], vector<16xi32>,
    %get3A_165 = arith.constant 2 : i32
    %get3A_166 = arith.index_cast %get3A_165 : i32 to index
    %get3A_167 = arith.constant 32 : index
    %get3A_168 = tpu.vector_load %arg7[%get3A_166, %get3A_167] {strides = array<i32>} : memref<4x128xi32, #tpu.memory_space<vmem>>, vector<16xi32>,
    %broadcast_in_dim3A_169 = arith.constant 1 : i32
    %broadcast_in_dim3A_170 = vector.broadcast %broadcast_in_dim3A_169 : i32 to vector<16xi32>
    tpu.vector_store_idx %arg9[%get3A_168], %broadcast_in_dim3A_170 {add = true} : memref<1024xi32, #tpu.memory_space<vmem>>[vector<16xi32>], vector<16xi32>,
    %get3A_171 = arith.constant 2 : i32
    %get3A_172 = arith.index_cast %get3A_171 : i32 to index
    %get3A_173 = arith.constant 48 : index
    %get3A_174 = tpu.vector_load %arg7[%get3A_172, %get3A_173] {strides = array<i32>} : memref<4x128xi32, #tpu.memory_space<vmem>>, vector<16xi32>,
    %broadcast_in_dim3A_175 = arith.constant 1 : i32
    %broadcast_in_dim3A_176 = vector.broadcast %broadcast_in_dim3A_175 : i32 to vector<16xi32>
    tpu.vector_store_idx %arg9[%get3A_174], %broadcast_in_dim3A_176 {add = true} : memref<1024xi32, #tpu.memory_space<vmem>>[vector<16xi32>], vector<16xi32>,
    %get3A_177 = arith.constant 2 : i32
    %get3A_178 = arith.index_cast %get3A_177 : i32 to index
    %get3A_179 = arith.constant 64 : index
    %get3A_180 = tpu.vector_load %arg7[%get3A_178, %get3A_179] {strides = array<i32>} : memref<4x128xi32, #tpu.memory_space<vmem>>, vector<16xi32>,
    %broadcast_in_dim3A_181 = arith.constant 1 : i32
    %broadcast_in_dim3A_182 = vector.broadcast %broadcast_in_dim3A_181 : i32 to vector<16xi32>
    tpu.vector_store_idx %arg9[%get3A_180], %broadcast_in_dim3A_182 {add = true} : memref<1024xi32, #tpu.memory_space<vmem>>[vector<16xi32>], vector<16xi32>,
    %get3A_183 = arith.constant 2 : i32
    %get3A_184 = arith.index_cast %get3A_183 : i32 to index
    %get3A_185 = arith.constant 80 : index
    %get3A_186 = tpu.vector_load %arg7[%get3A_184, %get3A_185] {strides = array<i32>} : memref<4x128xi32, #tpu.memory_space<vmem>>, vector<16xi32>,
    %broadcast_in_dim3A_187 = arith.constant 1 : i32
    %broadcast_in_dim3A_188 = vector.broadcast %broadcast_in_dim3A_187 : i32 to vector<16xi32>
    tpu.vector_store_idx %arg9[%get3A_186], %broadcast_in_dim3A_188 {add = true} : memref<1024xi32, #tpu.memory_space<vmem>>[vector<16xi32>], vector<16xi32>,
    %get3A_189 = arith.constant 2 : i32
    %get3A_190 = arith.index_cast %get3A_189 : i32 to index
    %get3A_191 = arith.constant 96 : index
    %get3A_192 = tpu.vector_load %arg7[%get3A_190, %get3A_191] {strides = array<i32>} : memref<4x128xi32, #tpu.memory_space<vmem>>, vector<16xi32>,
    %broadcast_in_dim3A_193 = arith.constant 1 : i32
    %broadcast_in_dim3A_194 = vector.broadcast %broadcast_in_dim3A_193 : i32 to vector<16xi32>
    tpu.vector_store_idx %arg9[%get3A_192], %broadcast_in_dim3A_194 {add = true} : memref<1024xi32, #tpu.memory_space<vmem>>[vector<16xi32>], vector<16xi32>,
    %get3A_195 = arith.constant 2 : i32
    %get3A_196 = arith.index_cast %get3A_195 : i32 to index
    %get3A_197 = arith.constant 112 : index
    %get3A_198 = tpu.vector_load %arg7[%get3A_196, %get3A_197] {strides = array<i32>} : memref<4x128xi32, #tpu.memory_space<vmem>>, vector<16xi32>,
    %broadcast_in_dim3A_199 = arith.constant 1 : i32
    %broadcast_in_dim3A_200 = vector.broadcast %broadcast_in_dim3A_199 : i32 to vector<16xi32>
    tpu.vector_store_idx %arg9[%get3A_198], %broadcast_in_dim3A_200 {add = true} : memref<1024xi32, #tpu.memory_space<vmem>>[vector<16xi32>], vector<16xi32>,
    %dma_start3A_201 = arith.constant 3 : i32
    %dma_start3A_202 = arith.constant 384 : i32
    %dma_start3A_203 = arith.constant 0 : i32
    %dma_start3A_204 = tpu.memref_slice %arg8[%dma_start3A_202, %dma_start3A_203] : memref<512x128xf32, #tpu.memory_space<vmem>> -> memref<128x128xf32, #tpu.memory_space<vmem>>
    %dma_start3A_205 = arith.constant 0 : i32
    %dma_start3A_206 = tpu.memref_slice %arg7[%dma_start3A_201, %dma_start3A_205] : memref<4x128xi32, #tpu.memory_space<vmem>> -> memref<1x128xi32, #tpu.memory_space<vmem>>
    %dma_start3A_207 = tpu.memref_squeeze %dma_start3A_206 : memref<1x128xi32, #tpu.memory_space<vmem>> -> memref<128xi32, #tpu.memory_space<vmem>>
    %dma_start3A_208 = arith.constant 0 : i32
    %dma_start3A_209 = arith.constant 0 : i32
    %dma_start3A_210 = tpu.memref_slice %arg2[%dma_start3A_208, %dma_start3A_209] : memref<1024x128xf32, #tpu.memory_space<hbm>> -> memref<1024x128xf32, #tpu.memory_space<hbm>>
    tpu.enqueue_indirect_dma source(%dma_start3A_210 : memref<1024x128xf32, #tpu.memory_space<hbm>>) target(%dma_start3A_204 : memref<128x128xf32, #tpu.memory_space<vmem>>) offsets(%dma_start3A_207 : memref<128xi32, #tpu.memory_space<vmem>>) semaphore(%arg10 : memref<!tpu.dma_semaphore, #tpu.memory_space<semaphore_mem>>)
    %dma_wait3A_211 = arith.constant 3 : i32
    %dma_wait3A_212 = arith.constant 384 : i32
    %dma_wait3A_213 = arith.constant 0 : i32
    %dma_wait3A_214 = tpu.memref_slice %arg8[%dma_wait3A_212, %dma_wait3A_213] : memref<512x128xf32, #tpu.memory_space<vmem>> -> memref<128x128xf32, #tpu.memory_space<vmem>>
    %dma_wait3A_215 = arith.constant 0 : i32
    %dma_wait3A_216 = tpu.memref_slice %arg7[%dma_wait3A_211, %dma_wait3A_215] : memref<4x128xi32, #tpu.memory_space<vmem>> -> memref<1x128xi32, #tpu.memory_space<vmem>>
    %dma_wait3A_217 = tpu.memref_squeeze %dma_wait3A_216 : memref<1x128xi32, #tpu.memory_space<vmem>> -> memref<128xi32, #tpu.memory_space<vmem>>
    %dma_wait3A_218 = arith.constant 0 : i32
    %dma_wait3A_219 = arith.constant 0 : i32
    %dma_wait3A_220 = tpu.memref_slice %arg2[%dma_wait3A_218, %dma_wait3A_219] : memref<1024x128xf32, #tpu.memory_space<hbm>> -> memref<1024x128xf32, #tpu.memory_space<hbm>>
    tpu.wait_indirect_dma semaphore(%arg10 : memref<!tpu.dma_semaphore, #tpu.memory_space<semaphore_mem>>) src(%dma_wait3A_220 : memref<1024x128xf32, #tpu.memory_space<hbm>>) dst(%dma_wait3A_214 : memref<128x128xf32, #tpu.memory_space<vmem>>)
    %get3A_221 = arith.constant 3 : i32
    %get3A_222 = arith.index_cast %get3A_221 : i32 to index
    %get3A_223 = arith.constant 0 : index
    %get3A_224 = tpu.vector_load %arg7[%get3A_222, %get3A_223] {strides = array<i32>} : memref<4x128xi32, #tpu.memory_space<vmem>>, vector<16xi32>,
    %broadcast_in_dim3A_225 = arith.constant 1 : i32
    %broadcast_in_dim3A_226 = vector.broadcast %broadcast_in_dim3A_225 : i32 to vector<16xi32>
    tpu.vector_store_idx %arg9[%get3A_224], %broadcast_in_dim3A_226 {add = true} : memref<1024xi32, #tpu.memory_space<vmem>>[vector<16xi32>], vector<16xi32>,
    %get3A_227 = arith.constant 3 : i32
    %get3A_228 = arith.index_cast %get3A_227 : i32 to index
    %get3A_229 = arith.constant 16 : index
    %get3A_230 = tpu.vector_load %arg7[%get3A_228, %get3A_229] {strides = array<i32>} : memref<4x128xi32, #tpu.memory_space<vmem>>, vector<16xi32>,
    %broadcast_in_dim3A_231 = arith.constant 1 : i32
    %broadcast_in_dim3A_232 = vector.broadcast %broadcast_in_dim3A_231 : i32 to vector<16xi32>
    tpu.vector_store_idx %arg9[%get3A_230], %broadcast_in_dim3A_232 {add = true} : memref<1024xi32, #tpu.memory_space<vmem>>[vector<16xi32>], vector<16xi32>,
    %get3A_233 = arith.constant 3 : i32
    %get3A_234 = arith.index_cast %get3A_233 : i32 to index
    %get3A_235 = arith.constant 32 : index
    %get3A_236 = tpu.vector_load %arg7[%get3A_234, %get3A_235] {strides = array<i32>} : memref<4x128xi32, #tpu.memory_space<vmem>>, vector<16xi32>,
    %broadcast_in_dim3A_237 = arith.constant 1 : i32
    %broadcast_in_dim3A_238 = vector.broadcast %broadcast_in_dim3A_237 : i32 to vector<16xi32>
    tpu.vector_store_idx %arg9[%get3A_236], %broadcast_in_dim3A_238 {add = true} : memref<1024xi32, #tpu.memory_space<vmem>>[vector<16xi32>], vector<16xi32>,
    %get3A_239 = arith.constant 3 : i32
    %get3A_240 = arith.index_cast %get3A_239 : i32 to index
    %get3A_241 = arith.constant 48 : index
    %get3A_242 = tpu.vector_load %arg7[%get3A_240, %get3A_241] {strides = array<i32>} : memref<4x128xi32, #tpu.memory_space<vmem>>, vector<16xi32>,
    %broadcast_in_dim3A_243 = arith.constant 1 : i32
    %broadcast_in_dim3A_244 = vector.broadcast %broadcast_in_dim3A_243 : i32 to vector<16xi32>
    tpu.vector_store_idx %arg9[%get3A_242], %broadcast_in_dim3A_244 {add = true} : memref<1024xi32, #tpu.memory_space<vmem>>[vector<16xi32>], vector<16xi32>,
    %get3A_245 = arith.constant 3 : i32
    %get3A_246 = arith.index_cast %get3A_245 : i32 to index
    %get3A_247 = arith.constant 64 : index
    %get3A_248 = tpu.vector_load %arg7[%get3A_246, %get3A_247] {strides = array<i32>} : memref<4x128xi32, #tpu.memory_space<vmem>>, vector<16xi32>,
    %broadcast_in_dim3A_249 = arith.constant 1 : i32
    %broadcast_in_dim3A_250 = vector.broadcast %broadcast_in_dim3A_249 : i32 to vector<16xi32>
    tpu.vector_store_idx %arg9[%get3A_248], %broadcast_in_dim3A_250 {add = true} : memref<1024xi32, #tpu.memory_space<vmem>>[vector<16xi32>], vector<16xi32>,
    %get3A_251 = arith.constant 3 : i32
    %get3A_252 = arith.index_cast %get3A_251 : i32 to index
    %get3A_253 = arith.constant 80 : index
    %get3A_254 = tpu.vector_load %arg7[%get3A_252, %get3A_253] {strides = array<i32>} : memref<4x128xi32, #tpu.memory_space<vmem>>, vector<16xi32>,
    %broadcast_in_dim3A_255 = arith.constant 1 : i32
    %broadcast_in_dim3A_256 = vector.broadcast %broadcast_in_dim3A_255 : i32 to vector<16xi32>
    tpu.vector_store_idx %arg9[%get3A_254], %broadcast_in_dim3A_256 {add = true} : memref<1024xi32, #tpu.memory_space<vmem>>[vector<16xi32>], vector<16xi32>,
    %get3A_257 = arith.constant 3 : i32
    %get3A_258 = arith.index_cast %get3A_257 : i32 to index
    %get3A_259 = arith.constant 96 : index
    %get3A_260 = tpu.vector_load %arg7[%get3A_258, %get3A_259] {strides = array<i32>} : memref<4x128xi32, #tpu.memory_space<vmem>>, vector<16xi32>,
    %broadcast_in_dim3A_261 = arith.constant 1 : i32
    %broadcast_in_dim3A_262 = vector.broadcast %broadcast_in_dim3A_261 : i32 to vector<16xi32>
    tpu.vector_store_idx %arg9[%get3A_260], %broadcast_in_dim3A_262 {add = true} : memref<1024xi32, #tpu.memory_space<vmem>>[vector<16xi32>], vector<16xi32>,
    %get3A_263 = arith.constant 3 : i32
    %get3A_264 = arith.index_cast %get3A_263 : i32 to index
    %get3A_265 = arith.constant 112 : index
    %get3A_266 = tpu.vector_load %arg7[%get3A_264, %get3A_265] {strides = array<i32>} : memref<4x128xi32, #tpu.memory_space<vmem>>, vector<16xi32>,
    %broadcast_in_dim3A_267 = arith.constant 1 : i32
    %broadcast_in_dim3A_268 = vector.broadcast %broadcast_in_dim3A_267 : i32 to vector<16xi32>
    tpu.vector_store_idx %arg9[%get3A_266], %broadcast_in_dim3A_268 {add = true} : memref<1024xi32, #tpu.memory_space<vmem>>[vector<16xi32>], vector<16xi32>,
    %mul3A_269 = arith.constant 512 : i32
    %mul3A_270 = arith.muli %add3A, %mul3A_269 : i32
    "tpu.region"() ({
      %run_scoped3A = tpu.sem_alloc : memref<!tpu.dma_semaphore, #tpu.memory_space<semaphore_mem>>
      %dma_start3A_271 = arith.constant 0 : i32
      %dma_start3A_272 = tpu.memref_slice %arg5[%mul3A_270, %dma_start3A_271] : memref<16384x128xf32, #tpu.memory_space<hbm>> -> memref<512x128xf32, #tpu.memory_space<hbm>>
      %dma_start3A_273 = arith.constant 0 : i32
      %dma_start3A_274 = tpu.memref_slice %arg5[%mul3A_270, %dma_start3A_273] : memref<16384x128xf32, #tpu.memory_space<hbm>> -> memref<512x128xf32, #tpu.memory_space<hbm>>
      tpu.enqueue_dma source(%arg8 : memref<512x128xf32, #tpu.memory_space<vmem>>) target(%dma_start3A_274 : memref<512x128xf32, #tpu.memory_space<hbm>>) target_semaphore(%run_scoped3A : memref<!tpu.dma_semaphore, #tpu.memory_space<semaphore_mem>>)
      %dma_wait3A_275 = arith.constant 0 : i32
      %dma_wait3A_276 = tpu.memref_slice %arg5[%mul3A_270, %dma_wait3A_275] : memref<16384x128xf32, #tpu.memory_space<hbm>> -> memref<512x128xf32, #tpu.memory_space<hbm>>
      %dma_wait3A_277 = arith.constant 0 : i32
      %dma_wait3A_278 = tpu.memref_slice %arg5[%mul3A_270, %dma_wait3A_277] : memref<16384x128xf32, #tpu.memory_space<hbm>> -> memref<512x128xf32, #tpu.memory_space<hbm>>
      tpu.wait_dma2 semaphore(%run_scoped3A : memref<!tpu.dma_semaphore, #tpu.memory_space<semaphore_mem>>) src(%arg8 : memref<512x128xf32, #tpu.memory_space<vmem>>) dst(%dma_wait3A_278 : memref<512x128xf32, #tpu.memory_space<hbm>>)
      tpu.yield
    }) : () -> ()
    "tpu.region"() ({
      %run_scoped3A = tpu.sem_alloc : memref<!tpu.dma_semaphore, #tpu.memory_space<semaphore_mem>>
      %dma_start3A_271 = arith.constant 0 : i32
      %dma_start3A_272 = tpu.memref_slice %arg6[%add3A, %dma_start3A_271] : memref<32x1024xi32, #tpu.memory_space<hbm>> -> memref<1x1024xi32, #tpu.memory_space<hbm>>
      %dma_start3A_273 = tpu.memref_squeeze %dma_start3A_272 : memref<1x1024xi32, #tpu.memory_space<hbm>> -> memref<1024xi32, #tpu.memory_space<hbm>>
      %dma_start3A_274 = arith.constant 0 : i32
      %dma_start3A_275 = tpu.memref_slice %arg6[%add3A, %dma_start3A_274] : memref<32x1024xi32, #tpu.memory_space<hbm>> -> memref<1x1024xi32, #tpu.memory_space<hbm>>
      %dma_start3A_276 = tpu.memref_squeeze %dma_start3A_275 : memref<1x1024xi32, #tpu.memory_space<hbm>> -> memref<1024xi32, #tpu.memory_space<hbm>>
      tpu.enqueue_dma source(%arg9 : memref<1024xi32, #tpu.memory_space<vmem>>) target(%dma_start3A_276 : memref<1024xi32, #tpu.memory_space<hbm>>) target_semaphore(%run_scoped3A : memref<!tpu.dma_semaphore, #tpu.memory_space<semaphore_mem>>)
      %dma_wait3A_277 = arith.constant 0 : i32
      %dma_wait3A_278 = tpu.memref_slice %arg6[%add3A, %dma_wait3A_277] : memref<32x1024xi32, #tpu.memory_space<hbm>> -> memref<1x1024xi32, #tpu.memory_space<hbm>>
      %dma_wait3A_279 = tpu.memref_squeeze %dma_wait3A_278 : memref<1x1024xi32, #tpu.memory_space<hbm>> -> memref<1024xi32, #tpu.memory_space<hbm>>
      %dma_wait3A_280 = arith.constant 0 : i32
      %dma_wait3A_281 = tpu.memref_slice %arg6[%add3A, %dma_wait3A_280] : memref<32x1024xi32, #tpu.memory_space<hbm>> -> memref<1x1024xi32, #tpu.memory_space<hbm>>
      %dma_wait3A_282 = tpu.memref_squeeze %dma_wait3A_281 : memref<1x1024xi32, #tpu.memory_space<hbm>> -> memref<1024xi32, #tpu.memory_space<hbm>>
      tpu.wait_dma2 semaphore(%run_scoped3A : memref<!tpu.dma_semaphore, #tpu.memory_space<semaphore_mem>>) src(%arg9 : memref<1024xi32, #tpu.memory_space<vmem>>) dst(%dma_wait3A_282 : memref<1024xi32, #tpu.memory_space<hbm>>)
      tpu.yield
    }) : () -> ()
    return
  }
}

module attributes {stable_mosaic.version = 14 : i64} {
  func.func @_dist_body(%arg0: i32, %arg1: memref<4096x64xf32, #tpu.memory_space<vmem>>, %arg2: memref<1024x64xf32, #tpu.memory_space<vmem>>, %arg3: memref<1x1x4096xf32, #tpu.memory_space<vmem>>, %arg4: memref<1x1024xf32, #tpu.memory_space<vmem>>, %arg5: memref<1x1x4096xi32, #tpu.memory_space<vmem>>, %arg6: memref<1x1xf32, #tpu.memory_space<smem>>) attributes {dimension_semantics = [#tpu.dimension_semantics<arbitrary>], iteration_bounds = array<i64: 4>, scalar_prefetch = 0 : i64, scratch_operands = 0 : i64, tpu.core_type = #tpu.core_type<tc>, window_params = [{transform_indices = @transform_0, window_bounds = array<i64: 4096, 64>}, {pipeline_mode = #tpu.pipeline_mode<synchronous>, transform_indices = @transform_1, window_bounds = array<i64: 1024, 64>}, {transform_indices = @transform_2, window_bounds = array<i64: 1, 1, 4096>}, {pipeline_mode = #tpu.pipeline_mode<synchronous>, transform_indices = @transform_3, window_bounds = array<i64: 1, 1024>}, {transform_indices = @transform_4, window_bounds = array<i64: 1, 1, 4096>}, {transform_indices = @transform_5, window_bounds = array<i64: 1, 1>}]} {
    %get3A = arith.constant 0 : index
    %get3A_0 = arith.constant 0 : index
    %get3A_1 = vector.load %arg1[%get3A, %get3A_0] : memref<4096x64xf32, #tpu.memory_space<vmem>>, vector<4096x64xf32>
    %get3A_2 = arith.constant 0 : index
    %get3A_3 = arith.constant 0 : index
    %get3A_4 = vector.load %arg2[%get3A_2, %get3A_3] : memref<1024x64xf32, #tpu.memory_space<vmem>>, vector<1024x64xf32>
    %dot_general3A = arith.constant dense<0.000000e+00> : vector<4096x1024xf32>
    %dot_general3A_5 = tpu.matmul %get3A_1, %get3A_4, %dot_general3A {dimension_numbers = #tpu.dot_dimension_numbers<[1], [1], [0], [0], [0, 0, 1, 0], [], []>, transpose_lhs_hint = false} : vector<4096x64xf32>, vector<1024x64xf32>, vector<4096x1024xf32> -> vector<4096x1024xf32>
    %get3A_6 = arith.constant 0 : index
    %get3A_7 = arith.constant 0 : index
    %get3A_8 = arith.constant 0 : index
    %get3A_9 = vector.load %arg3[%get3A_6, %get3A_7, %get3A_8] : memref<1x1x4096xf32, #tpu.memory_space<vmem>>, vector<1x1x4096xf32>
    %get3A_10 = vector.shape_cast %get3A_9 : vector<1x1x4096xf32> to vector<1x4096xf32>
    %transpose3A = tpu.transpose %get3A_10, [1, 0] : vector<1x4096xf32> -> vector<4096x1xf32>
    %get3A_11 = arith.constant 0 : index
    %get3A_12 = arith.constant 0 : index
    %get3A_13 = vector.load %arg4[%get3A_11, %get3A_12] : memref<1x1024xf32, #tpu.memory_space<vmem>>, vector<1x1024xf32>
    %add3A = vector.broadcast %transpose3A : vector<4096x1xf32> to vector<4096x1024xf32>
    %add3A_14 = vector.broadcast %get3A_13 : vector<1x1024xf32> to vector<4096x1024xf32>
    %add3A_15 = arith.addf %add3A, %add3A_14 : vector<4096x1024xf32>
    %mul3A = arith.constant 2.000000e+00 : f32
    %mul3A_16 = vector.broadcast %mul3A : f32 to vector<4096x1024xf32>
    %mul3A_17 = arith.mulf %mul3A_16, %dot_general3A_5 : vector<4096x1024xf32>
    %sub3A = arith.subf %add3A_15, %mul3A_17 : vector<4096x1024xf32>
    %max3A = arith.constant 0.000000e+00 : f32
    %max3A_18 = vector.broadcast %max3A : f32 to vector<4096x1024xf32>
    %max3A_19 = arith.maximumf %sub3A, %max3A_18 : vector<4096x1024xf32>
    %sqrt3A = math.sqrt %max3A_19 : vector<4096x1024xf32>
    %reduce_min3A = arith.constant dense<0x7F800000> : vector<4096xf32>
    %reduce_min3A_20 = vector.multi_reduction <minimumf>, %sqrt3A, %reduce_min3A [1] : vector<4096x1024xf32> to vector<4096xf32>
    %broadcast_in_dim3A = vector.shape_cast %reduce_min3A_20 : vector<4096xf32> to vector<4096x1xf32>
    %iota3A = tpu.iota {dimensions = array<i32: 1>} : vector<4096x1024xi32>
    %eq3A = vector.broadcast %broadcast_in_dim3A : vector<4096x1xf32> to vector<4096x1024xf32>
    %eq3A_21 = arith.cmpf oeq, %sqrt3A, %eq3A : vector<4096x1024xf32>
    %jit3A = arith.constant 1024 : i32
    %broadcast_in_dim3A_22 = vector.broadcast %jit3A : i32 to vector<4096x1024xi32>
    %select_n3A = arith.select %eq3A_21, %iota3A, %broadcast_in_dim3A_22 : vector<4096x1024xi1>, vector<4096x1024xi32>
    %reduce_min3A_23 = arith.constant dense<2147483647> : vector<4096xi32>
    %reduce_min3A_24 = vector.multi_reduction <minsi>, %select_n3A, %reduce_min3A_23 [1] : vector<4096x1024xi32> to vector<4096xi32>
    %swap3A = arith.constant 0 : index
    %swap3A_25 = arith.constant 0 : index
    %swap3A_26 = arith.constant 0 : index
    %swap3A_27 = vector.load %arg5[%swap3A, %swap3A_25, %swap3A_26] : memref<1x1x4096xi32, #tpu.memory_space<vmem>>, vector<1x1x4096xi32>
    %swap3A_28 = vector.shape_cast %swap3A_27 : vector<1x1x4096xi32> to vector<4096xi32>
    %swap3A_29 = vector.shape_cast %reduce_min3A_24 : vector<4096xi32> to vector<1x1x4096xi32>
    tpu.vector_store %arg5[%swap3A, %swap3A_25, %swap3A_26], %swap3A_29 {strides = array<i32>} : memref<1x1x4096xi32, #tpu.memory_space<vmem>>, vector<1x1x4096xi32>,
    %eq3A_30 = arith.constant 0 : i32
    %eq3A_31 = arith.cmpi eq, %arg0, %eq3A_30 : i32
    %convert_element_type3A = arith.extui %eq3A_31 : i1 to i32
    %cond3A = arith.constant 0 : i32
    %cond3A_32 = arith.cmpi ne, %convert_element_type3A, %cond3A : i32
    scf.if %cond3A_32 {
      %swap3A_45 = arith.constant 0.000000e+00 : f32
      %swap3A_46 = arith.constant 0 : index
      %swap3A_47 = arith.constant 0 : index
      %swap3A_48 = memref.load %arg6[%swap3A_46, %swap3A_47] : memref<1x1xf32, #tpu.memory_space<smem>>
      memref.store %swap3A_45, %arg6[%swap3A_46, %swap3A_47] : memref<1x1xf32, #tpu.memory_space<smem>>
    } else {
    }
    %get3A_33 = arith.constant 0 : index
    %get3A_34 = arith.constant 0 : index
    %get3A_35 = memref.load %arg6[%get3A_33, %get3A_34] : memref<1x1xf32, #tpu.memory_space<smem>>
    %mul3A_36 = arith.mulf %broadcast_in_dim3A, %broadcast_in_dim3A : vector<4096x1xf32>
    %reduce_sum3A = vector.shape_cast %mul3A_36 : vector<4096x1xf32> to vector<1x4096x1xf32>
    %reduce_sum3A_37 = arith.constant dense<0.000000e+00> : vector<1xf32>
    %reduce_sum3A_38 = vector.multi_reduction <add>, %reduce_sum3A, %reduce_sum3A_37 [1, 2] : vector<1x4096x1xf32> to vector<1xf32>
    %reduce_sum3A_39 = vector.shape_cast %reduce_sum3A_38 : vector<1xf32> to vector<1x1x1xf32>
    %reduce_sum3A_40 = vector.extract %reduce_sum3A_39[0, 0, 0] : f32 from vector<1x1x1xf32>
    %add3A_41 = arith.addf %get3A_35, %reduce_sum3A_40 : f32
    %swap3A_42 = arith.constant 0 : index
    %swap3A_43 = arith.constant 0 : index
    %swap3A_44 = memref.load %arg6[%swap3A_42, %swap3A_43] : memref<1x1xf32, #tpu.memory_space<smem>>
    memref.store %add3A_41, %arg6[%swap3A_42, %swap3A_43] : memref<1x1xf32, #tpu.memory_space<smem>>
    return
  }
  func.func @transform_0(%arg0: i32) -> (i32, i32) {
    %c0_i32 = arith.constant 0 : i32
    %c0_i32_0 = arith.constant 0 : i32
    return %arg0, %c0_i32 : i32, i32
  }
  func.func @transform_1(%arg0: i32) -> (i32, i32) {
    %c0_i32 = arith.constant 0 : i32
    %c0_i32_0 = arith.constant 0 : i32
    %c0_i32_1 = arith.constant 0 : i32
    return %c0_i32, %c0_i32_0 : i32, i32
  }
  func.func @transform_2(%arg0: i32) -> (i32, i32, i32) {
    %c0_i32 = arith.constant 0 : i32
    %c0_i32_0 = arith.constant 0 : i32
    %c0_i32_1 = arith.constant 0 : i32
    return %arg0, %c0_i32, %c0_i32_0 : i32, i32, i32
  }
  func.func @transform_3(%arg0: i32) -> (i32, i32) {
    %c0_i32 = arith.constant 0 : i32
    %c0_i32_0 = arith.constant 0 : i32
    %c0_i32_1 = arith.constant 0 : i32
    return %c0_i32, %c0_i32_0 : i32, i32
  }
  func.func @transform_4(%arg0: i32) -> (i32, i32, i32) {
    %c0_i32 = arith.constant 0 : i32
    %c0_i32_0 = arith.constant 0 : i32
    %c0_i32_1 = arith.constant 0 : i32
    return %arg0, %c0_i32, %c0_i32_0 : i32, i32, i32
  }
  func.func @transform_5(%arg0: i32) -> (i32, i32) {
    %c0_i32 = arith.constant 0 : i32
    %c0_i32_0 = arith.constant 0 : i32
    %c0_i32_1 = arith.constant 0 : i32
    return %c0_i32, %c0_i32_0 : i32, i32
  }
}

module attributes {stable_mosaic.version = 14 : i64} {
  func.func @_final_body(%arg0: memref<32x1024xi32, #tpu.memory_space<vmem>>, %arg1: memref<1x1xf32, #tpu.memory_space<smem>>, %arg2: memref<1x1xf32, #tpu.memory_space<smem>>, %arg3: memref<1x1xf32, #tpu.memory_space<smem>>, %arg4: memref<1x1xi32, #tpu.memory_space<smem>>) attributes {dimension_semantics = [], scalar_prefetch = 0 : i64, scratch_operands = 0 : i64, tpu.core_type = #tpu.core_type<tc>} {
    %get3A = arith.constant 0 : index
    %get3A_0 = arith.constant 0 : index
    %get3A_1 = vector.load %arg0[%get3A, %get3A_0] : memref<32x1024xi32, #tpu.memory_space<vmem>>, vector<32x1024xi32>
    %reduce_sum3A = arith.constant dense<0> : vector<1024xi32>
    %reduce_sum3A_2 = vector.multi_reduction <add>, %get3A_1, %reduce_sum3A [0] : vector<32x1024xi32> to vector<1024xi32>
    %broadcast_in_dim3A = vector.shape_cast %reduce_sum3A_2 : vector<1024xi32> to vector<1x1024xi32>
    %convert_element_type3A = arith.sitofp %broadcast_in_dim3A : vector<1x1024xi32> to vector<1x1024xf32>
    %mul3A = arith.constant 6.10351563E-5 : f32
    %mul3A_3 = vector.broadcast %mul3A : f32 to vector<1x1024xf32>
    %mul3A_4 = arith.mulf %convert_element_type3A, %mul3A_3 : vector<1x1024xf32>
    %add3A = arith.constant 1.000000e-10 : f32
    %add3A_5 = vector.broadcast %add3A : f32 to vector<1x1024xf32>
    %add3A_6 = arith.addf %mul3A_4, %add3A_5 : vector<1x1024xf32>
    %log3A = math.log %add3A_6 : vector<1x1024xf32>
    %mul3A_7 = arith.mulf %mul3A_4, %log3A : vector<1x1024xf32>
    %reduce_sum3A_8 = vector.shape_cast %mul3A_7 : vector<1x1024xf32> to vector<1x1x1024xf32>
    %reduce_sum3A_9 = arith.constant dense<0.000000e+00> : vector<1xf32>
    %reduce_sum3A_10 = vector.multi_reduction <add>, %reduce_sum3A_8, %reduce_sum3A_9 [1, 2] : vector<1x1x1024xf32> to vector<1xf32>
    %reduce_sum3A_11 = vector.shape_cast %reduce_sum3A_10 : vector<1xf32> to vector<1x1x1xf32>
    %reduce_sum3A_12 = vector.extract %reduce_sum3A_11[0, 0, 0] : f32 from vector<1x1x1xf32>
    %neg3A = arith.constant 0.000000e+00 : f32
    %neg3A_13 = arith.subf %neg3A, %reduce_sum3A_12 : f32
    %exp3A = math.exp %neg3A_13 : f32
    %swap3A = arith.constant 0 : index
    %swap3A_14 = arith.constant 0 : index
    %swap3A_15 = memref.load %arg3[%swap3A, %swap3A_14] : memref<1x1xf32, #tpu.memory_space<smem>>
    memref.store %exp3A, %arg3[%swap3A, %swap3A_14] : memref<1x1xf32, #tpu.memory_space<smem>>
    %gt3A = arith.constant 0 : i32
    %gt3A_16 = vector.broadcast %gt3A : i32 to vector<1x1024xi32>
    %gt3A_17 = arith.cmpi sgt, %broadcast_in_dim3A, %gt3A_16 : vector<1x1024xi32>
    %convert_element_type3A_18 = arith.extui %gt3A_17 : vector<1x1024xi1> to vector<1x1024xi32>
    %reduce_sum3A_19 = vector.shape_cast %convert_element_type3A_18 : vector<1x1024xi32> to vector<1x1x1024xi32>
    %reduce_sum3A_20 = arith.constant dense<0> : vector<1xi32>
    %reduce_sum3A_21 = vector.multi_reduction <add>, %reduce_sum3A_19, %reduce_sum3A_20 [1, 2] : vector<1x1x1024xi32> to vector<1xi32>
    %reduce_sum3A_22 = vector.shape_cast %reduce_sum3A_21 : vector<1xi32> to vector<1x1x1xi32>
    %reduce_sum3A_23 = vector.extract %reduce_sum3A_22[0, 0, 0] : i32 from vector<1x1x1xi32>
    %swap3A_24 = arith.constant 0 : index
    %swap3A_25 = arith.constant 0 : index
    %swap3A_26 = memref.load %arg4[%swap3A_24, %swap3A_25] : memref<1x1xi32, #tpu.memory_space<smem>>
    memref.store %reduce_sum3A_23, %arg4[%swap3A_24, %swap3A_25] : memref<1x1xi32, #tpu.memory_space<smem>>
    %get3A_27 = arith.constant 0 : index
    %get3A_28 = arith.constant 0 : index
    %get3A_29 = memref.load %arg1[%get3A_27, %get3A_28] : memref<1x1xf32, #tpu.memory_space<smem>>
    %mul3A_30 = arith.constant 9.53674316E-7 : f32
    %mul3A_31 = arith.mulf %get3A_29, %mul3A_30 : f32
    %mul3A_32 = arith.constant 2.500000e-01 : f32
    %mul3A_33 = arith.mulf %mul3A_32, %mul3A_31 : f32
    %add3A_34 = arith.addf %mul3A_31, %mul3A_33 : f32
    %swap3A_35 = arith.constant 0 : index
    %swap3A_36 = arith.constant 0 : index
    %swap3A_37 = memref.load %arg2[%swap3A_35, %swap3A_36] : memref<1x1xf32, #tpu.memory_space<smem>>
    memref.store %add3A_34, %arg2[%swap3A_35, %swap3A_36] : memref<1x1xf32, #tpu.memory_space<smem>>
    return
  }
}

</mosaic_0001>

<sc_bundles>
// kernel: kernel.5.cloned.1.call-start
scs
__scs_entry_jumppad:
0x0: {  	(pc) =	sbr.rel $0x88, $3  }
0x1: {  	(tag) =	ssettag $0x0;
	lr =	simm.s32 $0x1  }
0x2: {  	[smem:$0x3F9F] =	sst lr;
	_ =	strace $0xD0000000  }
0x3: {  	_ = 	snop  }
0x4: {  	_ = 	snop  }
0x5: {  	_ = 	snop  }
0x6: {  	_ = 	snop  }
0x7: {  	_ = 	snop  }
__scs_overlays_trampoline_lowered:
0x8: {  	[smem:$0x3FAE] =	sst s0  }
0x9: {  	[smem:$0x3FAF] =	sst s1  }
0xa: {  	[smem:$0x3FB0] =	sst s2  }
0xb: {  	[smem:$0x3FB1] =	sst s3  }
0xc: {  	[smem:$0x3FB2] =	sst s4  }
0xd: {  	[smem:$0x3FB3] =	sst s5  }
0xe: {  	[smem:$0x3FB4] =	sst s6  }
0xf: {  	[smem:$0x3FB5] =	sst s7  }
0x10: {  	[smem:$0x3FB6] =	sst s8  }
0x11: {  	[smem:$0x3FB7] =	sst s9;
	s0 =	simm.s32 @!p0 $0x0  }
0x12: {  	s1 =	sld [smem:$0x3F9D];
	s0 =	simm.s32 @p0 $0x1  }
0x13: {  	[smem:$0x3FB8] =	sst s0;
	s0 =	simm.s32 @!p1 $0x0  }
0x14: {  	s2 =	sld [smem:$0x3F9C];
	s0 =	simm.s32 @p1 $0x1  }
0x15: {  	[smem:$0x3FB9] =	sst s0;
	s0 =	simm.s32 @!p2 $0x0  }
0x16: {  	s3 =	sld [smem:$0x3FDB];
	s0 =	simm.s32 @p2 $0x1  }
0x17: {  	s4 =	simm.s32 $0x1BF5;
	[smem:$0x3FBB] =	sst s0  }
0x18: {  	s0 =	sld [smem:$0x3F9E];
	_ =	swait.ge [sflag:s4], $0x0  }
0x19: {  	s7 =	sld [smem:$0x3F9F]  }
0x1a: {  	s8 =	sadd.s32 $0xFFFFE003, lr  }
0x1b: {  	s9 =	sadd.s32 $0xFFFFFEF7, lr;
	s5 =	simm.s32 $0xFFFFFFFF;
	p2 =	slt.u32 s8, $0xFFFFF086  }
0x1c: {  	p1 =	slt.u32 s9, $0xF7A;
	s5 =	simm.s32 @!p2 $0x0  }
0x1d: {  	s5 =	simm.s32 @p1 $0x1;
	p0 =	seq.s32 s7, s2  }
0x1e: {  	s7 =	smul.u32 @!p0 $0xF7A, s2;
	p2 =	seq.s32 @!p0 s5, $0x0  }
0x1f: {  	s9 =	smul.u32 $0xF7A, s1;
	s8 =	simm.s32 @!p0 $0x1BF5;
	p2 =	por !p2, p0  }
0x20: {  	[sflag:s8] =	ssyncset.s32 @!p0 $0xFFFFF086;
	s6 =	sadd.s32 @!p0 s3, s7;
	s7 =	simm.s32 @!p0 $0x108  }
0x21: {  	s3 =	sadd.s32 s3, s9;
	s6 =	sadd.s32 @!p0 $0x88, s6;
	s7 =	simm.s32 @p2 $0x1082  }
0x22: {  	[simem:s7], [sflag:s8] =	dma.local @!p0 [hbm:s6], $0xF7A  }
0x23: {  	s9 =	sor.u32 $0xD0000000, s2;
	s6 =	simm.s32 $0x108;
	_ =	swait.ge @!p0 [sflag:s8], $0x0  }
0x24: {  	s3 =	sadd.s32 $0x88, s3;
	s6 =	simm.s32 @!p1 $0x1082;
	[sflag:s4] =	ssyncset.s32 $0xFFFFF086  }
0x25: {  	[simem:s6], [sflag:s4] =	dma.local [hbm:s3], $0xF7A  }
0x26: {  	[smem:$0x3F9F] =	sst s1;
	(tag) =	ssettag s2;
	_ =	strace s9  }
0x27: {  	s1 =	sld [smem:$0x3FAF]  }
0x28: {  	s2 =	sld [smem:$0x3FB0]  }
0x29: {  	s4 =	sld [smem:$0x3FB2]  }
0x2a: {  	p0 =	seq.s32 s5, $0x0;
	s5 =	sld [smem:$0x3FB3]  }
0x2b: {  	s6 =	sld [smem:$0x3FB4]  }
0x2c: {  	s7 =	sld [smem:$0x3FB5]  }
0x2d: {  	s3 =	simm.s32 $0x108;
	s8 =	sld [smem:$0x3FB6]  }
0x2e: {  	s3 =	simm.s32 @!p0 $0x1082;
	s9 =	sld [smem:$0x3FB7]  }
0x2f: {  	lr =	sadd.s32 s0, s3;
	s0 =	sld [smem:$0x3FAE]  }
0x30: {  	s3 =	sld [smem:$0x3FB1]  }
0x31: {  	[smem:$0x3FBA] =	sst s10  }
0x32: {  	s10 =	sld [smem:$0x3FB8];
	_ =	sdelay $0x3  }
0x33: {  	p0 =	seq.s32 s10, $0x1;
	s10 =	sld [smem:$0x3FBA];
	_ =	sdelay $0x3  }
0x34: {  	[smem:$0x3FBA] =	sst s10  }
0x35: {  	s10 =	sld [smem:$0x3FB9];
	_ =	sdelay $0x3  }
0x36: {  	p1 =	seq.s32 s10, $0x1;
	s10 =	sld [smem:$0x3FBA];
	_ =	sdelay $0x3  }
0x37: {  	[smem:$0x3FBA] =	sst s10  }
0x38: {  	s10 =	sld [smem:$0x3FBB]  }
0x39: {  	_ = 	snop;
	(pc) =	sbr.ind lr, $3  }
0x3a: {  	_ = 	snop  }
0x3b: {  	_ = 	snop  }
0x3c: {  	p2 =	seq.s32 s10, $0x1;
	s10 =	sld [smem:$0x3FBA]  }
0x3d: {  	_ =	shalt  }
0x3e: {  	_ =	shalt  }
0x3f: {  	_ =	shalt  }
0x40: {  	_ =	shalt  }
0x41: {  	_ =	shalt  }
0x42: {  	_ =	shalt  }
0x43: {  	_ =	shalt  }
0x44: {  	_ =	shalt  }
0x45: {  	_ =	shalt  }
0x46: {  	_ =	shalt  }
0x47: {  	_ =	shalt  }
0x48: {  	_ =	shalt  }
0x49: {  	_ =	shalt  }
0x4a: {  	_ =	shalt  }
0x4b: {  	_ =	shalt  }
0x4c: {  	_ =	shalt  }
0x4d: {  	_ =	shalt  }
0x4e: {  	_ =	shalt  }
0x4f: {  	_ =	shalt  }
0x50: {  	_ =	shalt  }
0x51: {  	_ =	shalt  }
0x52: {  	_ =	shalt  }
0x53: {  	_ =	shalt  }
0x54: {  	_ =	shalt  }
0x55: {  	_ =	shalt  }
0x56: {  	_ =	shalt  }
0x57: {  	_ =	shalt  }
0x58: {  	_ =	shalt  }
0x59: {  	_ =	shalt  }
0x5a: {  	_ =	shalt  }
0x5b: {  	_ =	shalt  }
0x5c: {  	_ =	shalt  }
0x5d: {  	_ =	shalt  }
0x5e: {  	_ =	shalt  }
0x5f: {  	_ =	shalt  }
0x60: {  	_ =	shalt  }
0x61: {  	_ =	shalt  }
0x62: {  	_ =	shalt  }
0x63: {  	_ =	shalt  }
0x64: {  	_ =	shalt  }
0x65: {  	_ =	shalt  }
0x66: {  	_ =	shalt  }
0x67: {  	_ =	shalt  }
0x68: {  	_ =	shalt  }
0x69: {  	_ =	shalt  }
0x6a: {  	_ =	shalt  }
0x6b: {  	_ =	shalt  }
0x6c: {  	_ =	shalt  }
0x6d: {  	_ =	shalt  }
0x6e: {  	_ =	shalt  }
0x6f: {  	_ =	shalt  }
0x70: {  	_ =	shalt  }
0x71: {  	_ =	shalt  }
0x72: {  	_ =	shalt  }
0x73: {  	_ =	shalt  }
0x74: {  	_ =	shalt  }
0x75: {  	_ =	shalt  }
0x76: {  	_ =	shalt  }
0x77: {  	_ =	shalt  }
0x78: {  	_ =	shalt  }
0x79: {  	_ =	shalt  }
0x7a: {  	_ =	shalt  }
0x7b: {  	_ =	shalt  }
0x7c: {  	_ =	shalt  }
0x7d: {  	_ =	shalt  }
0x7e: {  	_ =	shalt  }
0x7f: {  	_ =	shalt  }
0x80: {  	_ =	shalt  }
0x81: {  	_ =	shalt  }
0x82: {  	_ =	shalt  }
0x83: {  	_ =	shalt  }
0x84: {  	_ =	shalt  }
0x85: {  	_ =	shalt  }
0x86: {  	_ =	shalt  }
0x87: {  	_ =	shalt  }
.Lfunc_end0:
.L_simem_size_0:
called_computation_lowered:
.L_overlay_start_0:
0x88: {  	s2 =	sld [smem:$0x3FD9]  }
0x89: {  	s3 =	sld [smem:$0x3FFE];
	_ =	sdelay $0x1  }
0x8a: {  	s1 =	srdreg.scid  }
0x8b: {  	s0 =	sand.u32 $0x1, s1  }
0x8c: {  	s14 =	sshll.u32 s0, $0xA;
	s2 =	sadd.s32 s3, s2  }
0x8d: {  	s2 =	sadd.s32 s2, s14  }
0x8e: {  	[smem:$0x3FC6] =	sst s2  }
0x8f: {  	_ = 	snop  }
0x90: {  	s2 =	sld [smem:$0x3FD0];
	_ =	sdelay $0x2  }
0x91: {  	s15 =	simm.s32 $0xA;
	s4 =	simm.s32 $0x10  }
0x92: {  	[smem:s4], [sflag:s15] =	dma.local [hbm:s2], $0x1  }
0x93: {  	_ =	swait.eq [sflag:s15], $0x1  }
0x94: {  	[sflag:s15] =	ssyncset.done $0x0  }
0x95: {  	s16 =	sld [smem:$0x10];
	[sflag:s15] =	ssyncadd.s32 $0xFFFFFFFF  }
0x96: {  	s17 =	sld [smem:$0x11];
	(tm) =	ssettm $0x1  }
0x97: {  	s18 =	sld [smem:$0x3FFB];
	_ =	sdelay $0x3  }
0x98: {  	_ =	strace s18  }
0x99: {  	s4 =	sld [smem:$0x3FFC];
	_ =	sdelay $0x3  }
0x9a: {  	_ =	strace s4  }
0x9b: {  	s4 =	sld [smem:$0x3FFD];
	_ =	sdelay $0x3  }
0x9c: {  	_ =	strace s4  }
0x9d: {  	_ =	strace $0x8FFFFFFF  }
0x9e: {  	s19 =	sld [smem:$0x3FDB];
	_ =	sdelay $0x1  }
0x9f: {  	s5 =	simm.s32 $_scs_section_size  }
0xa0: {  	s6 =	simm.s32 $_size__tile_overlayer_lowered;
	s7 =	simm.s32 $_tile_overlayer_lowered  }
0xa1: {  	s22 =	simm.s32 $0x1BFF;
	s21 =	sshll.u32 s7, $0x1;
	s4 =	sadd.s32 s5, s19  }
0xa2: {  	s8 =	simm.s32 $0x0;
	s20 =	sshll.u32 s6, $0x1;
	s6 =	sadd.s32 s21, s4  }
0xa3: {  	[timem:s8], [sflag:s22] =	dma.local [hbm:s6], s20  }
0xa4: {  	_ =	swait.ge [sflag:s22], s20  }
0xa5: {  	s5 =	ssub.s32 $0x0, s20;
	[sflag:s22] =	ssyncset.done $0x0  }
0xa6: {  	[sflag:s22] =	ssyncadd.s32 s5;
	_ =	sdelay $0x1  }
0xa7: {  	s23 =	simm.s32 $0x1B8B  }
0xa8: {  	_ =	swait.ge [sflag:s23], $0x1  }
0xa9: {  	[sflag:s23] =	ssyncset.done $0x0  }
0xaa: {  	s25 =	simm.s32 $0x1B8E;
	s24 =	sld [smem:$0x3FFE];
	[sflag:s23] =	ssyncadd.s32 $0xFFFFFFFF  }
0xab: {  	s26 =	simm.s32 $execute0_lowered;
	[smem:$0x3FD2] =	sst s25  }
0xac: {  	s6 =	sshll.u32 s26, $0x1;
	_ =	strace $0x80000046;
	[dreg:$0x1] =	wrdreg $0xFFFFFFFF  }
0xad: {  	s28 =	simm.s32 $_size_execute0_lowered;
	s4 =	sadd.s32 s4, s6;
	[dreg:$0x0] =	wrdreg $0x0  }
0xae: {  	s6 =	sshll.u32 s28, $0x1;
	[dreg:$0x2] =	wrdreg s4  }
0xaf: {  	[dreg:$0x3] =	wrdreg s6  }
0xb0: {  	[dreg:$0x4] =	wrdreg $0xC0  }
0xb1: {  	_ =	task [dreg:s8], $0x5FFFF  }
0xb2: {  	[dreg:$0x1] =	wrdreg $0xFFFFFFFF  }
0xb3: {  	[dreg:$0x0] =	wrdreg $0x60  }
0xb4: {  	[dreg:$0x2] =	wrdreg s24  }
0xb5: {  	[dreg:$0x3] =	wrdreg s17  }
0xb6: {  	[dreg:$0x4] =	wrdreg s16  }
0xb7: {  	[dreg:$0x5] =	wrdreg $0x9  }
0xb8: {  	_ =	task.clear_ibuf [dreg:s8], $0x6FFFF;
	_ =	strace $0x90000046  }
0xb9: {  	s29 =	simm.s32 $0x9;
	_ =	strace $0x80000048  }
0xba: {  	_ =	swait.ge [sflag:s29], $0x1  }
0xbb: {  	[sflag:s29] =	ssyncadd.s32 $0xFFFFFFFF  }
0xbc: {  	_ =	strace $0x90000048  }
0xbd: {  	_ =	sfence  }
0xbe: {  	s30 =	sld [smem:$0x0];
	_ =	sdelay $0x2  }
0xbf: {  	s31 =	sshll.u32 s1, $0xD;
	s1 =	sshrl.u32 s1, $0x2  }
0xc0: {  	s3 =	sand.u32 $0x4000, s31;
	s1 =	sadd.s32 s1, s30  }
0xc1: {  	s0 =	sor.u32 s3, s0;
	s1 =	sshll.u32 s1, $0x11  }
0xc2: {  	s0 =	sor.u32 s1, s0  }
0xc3: {  	s0 =	sadd.s32 $0x8F2B, s0  }
0xc4: {  	[sflag:s0] =	ssyncadd.remote.s32 $0x1  }
0xc5: {  	_ =	sfence.sel $0xFFFF  }
0xc6: {  	[dreg:$0x0] =	wrdreg $0xFFFFFFFF;
	(pc) =	sbr.abs _section_cstart, $3  }
0xc7: {  	[dreg:$0x1] =	wrdreg $0xFFFFFFFF  }
0xc8: {  	_ =	task.clear_ibuf [dreg:s8], $0x2FFFF;
	_ =	strace $0x9FFFFFFF  }
0xc9: {  	(tm) =	ssettm $0x7FFFFFFF  }
tec
execute0_lowered:
.L_overlay_start_1:
0x0: {  	(tag) =	ssettag $0x1  }
0x1: {  	s5 =	rddreg [dreg:$0x0]  }
0x2: {  	s6 =	rddreg [dreg:$0x1]  }
0x3: {  	s7 =	rddreg [dreg:$0x2]  }
0x4: {  	s0 =	rddreg [dreg:$0x3]  }
0x5: {  	s2 =	simm.s32 $0x0;
	s1 =	stileid.u32;
	s8 =	srdreg.scid  }
0x6: {  	s13 =	simm.s32 $0x1;
	s14 =	simm.s32 $0x4200;
	s15 =	simm.s32 $0x100  }
0x7: {  	s16 =	simm.s32 $0x8200;
	s17 =	simm.s32 $0x180;
	s18 =	simm.s32 $0xC200  }
0x8: {  	s19 =	simm.s32 $0x400;
	[smem:$0x7FF] =	sst s2;
	s3 =	sadd.s32 $0x600, s5  }
0x9: {  	s4 =	sadd.s32 $0x4800, s5;
	s8 =	sand.u32 $0x1, s8;
	s9 =	sshll.u32 s1, $0x1  }
0xa: {  	s10 =	sshll.u32 s1, $0x8;
	_ =	strace $0x80000047;
	s11 =	ssub.s32 $0x2, s8  }
0xb: {  	s8 =	sor.u32 s8, s9;
	s26 =	sand.u32 $0xC00, s10;
	s9 =	simm.s32 $0x2  }
0xc: {  	s28 =	sshrl.u32 s11, $0x1;
	s12 =	sshll.u32 s8, $0x4;
	s5 =	sadd.s32 s26, s5  }
0xd: {  	s31 =	sshll.u32 s8, $0x6;
	s8 =	sshll.u32 s8, $0xD;
	s29 =	ssub.s32 s11, s28  }
0xe: {  	s30 =	sand.u32 $0x70, s12;
	s11 =	simm.s32 $0x80;
	s12 =	simm.s32 $0x200  }
0xf: {  	s10 =	sadd.s32 s30, s5;
	s5 =	sadd.s32 s6, s31;
	s6 =	sadd.s32 s7, s8  }
0x10: {  	v0 =	vimm.s32 $0x1;
	s8 =	smax.u32 s29, $0x1;
	s7 =	sadd.s32 $0x4A00, s10;
	s10 =	simm.s32 $0x10200  }
.LBB2_1:
0x11: {  	[tilespmem:s2], [sflag:$0x2] =	stream.linear.gather [hbm4b:s5+s2], $0x200, $0x38;
	[tilespmem:$0x10600] =	vst v63  }
0x12: {  	_ =	swait.ge [sflag:s9], $0x200  }
0x13: {  	[sflag:s9] =	ssyncset.done $0x0  }
0x14: {  	[sflag:s9] =	ssyncadd.s32 $0xFFFFFE00  }
0x15: {  	[tilespmem:s10], [sflag:$0x2] =	stream.linear.gather [hbm4b:s4+s2], $0x400, $0x38;
	[tilespmem:$0x10600] =	vst v63  }
0x16: {  	_ =	swait.ge [sflag:s9], $0x400  }
0x17: {  	[sflag:s9] =	ssyncset.done $0x0  }
0x18: {  	[sflag:s9] =	ssyncadd.s32 $0xFFFFFC00  }
0x19: {  	[tilespmem:s12], [sflag:$0x1] =	stream.indirect.gather [hbm4b:s3+s11], $0x80, s2, s11, $0xb8;
	[tilespmem:$0x10600] =	vst v63  }
0x1a: {  	_ =	swait.ge [sflag:s13], $0x4000  }
0x1b: {  	[sflag:s13] =	ssyncset.done $0x0  }
0x1c: {  	[sflag:s13] =	ssyncadd.s32 $0xFFFFC000  }
0x1d: {  	v1 =	vld [tilespmem:$0x0];
	_ =	sdelay $0x7  }
0x1e: {  	[tilespmem:v1+s10+$0x0] =	vst.idx.add.s32.msk $0xffff, v0  }
0x1f: {  	v1 =	vld [tilespmem:$0x10];
	_ =	sdelay $0x7  }
0x20: {  	[tilespmem:v1+s10+$0x0] =	vst.idx.add.s32.msk $0xffff, v0  }
0x21: {  	v1 =	vld [tilespmem:$0x20];
	_ =	sdelay $0x7  }
0x22: {  	[tilespmem:v1+s10+$0x0] =	vst.idx.add.s32.msk $0xffff, v0  }
0x23: {  	v1 =	vld [tilespmem:$0x30];
	_ =	sdelay $0x7  }
0x24: {  	[tilespmem:v1+s10+$0x0] =	vst.idx.add.s32.msk $0xffff, v0  }
0x25: {  	v1 =	vld [tilespmem:$0x40];
	_ =	sdelay $0x7  }
0x26: {  	[tilespmem:v1+s10+$0x0] =	vst.idx.add.s32.msk $0xffff, v0  }
0x27: {  	v1 =	vld [tilespmem:$0x50];
	_ =	sdelay $0x7  }
0x28: {  	[tilespmem:v1+s10+$0x0] =	vst.idx.add.s32.msk $0xffff, v0  }
0x29: {  	v1 =	vld [tilespmem:$0x60];
	_ =	sdelay $0x7  }
0x2a: {  	[tilespmem:v1+s10+$0x0] =	vst.idx.add.s32.msk $0xffff, v0  }
0x2b: {  	v1 =	vld [tilespmem:$0x70];
	_ =	sdelay $0x7  }
0x2c: {  	[tilespmem:v1+s10+$0x0] =	vst.idx.add.s32.msk $0xffff, v0  }
0x2d: {  	[tilespmem:s14], [sflag:$0x1] =	stream.indirect.gather [hbm4b:s3+s11], $0x80, s11, s11, $0xb8;
	[tilespmem:$0x10600] =	vst v63  }
0x2e: {  	_ =	swait.ge [sflag:s13], $0x4000  }
0x2f: {  	[sflag:s13] =	ssyncset.done $0x0  }
0x30: {  	[sflag:s13] =	ssyncadd.s32 $0xFFFFC000  }
0x31: {  	v1 =	vld [tilespmem:$0x80];
	_ =	sdelay $0x7  }
0x32: {  	[tilespmem:v1+s10+$0x0] =	vst.idx.add.s32.msk $0xffff, v0  }
0x33: {  	v1 =	vld [tilespmem:$0x90];
	_ =	sdelay $0x7  }
0x34: {  	[tilespmem:v1+s10+$0x0] =	vst.idx.add.s32.msk $0xffff, v0  }
0x35: {  	v1 =	vld [tilespmem:$0xA0];
	_ =	sdelay $0x7  }
0x36: {  	[tilespmem:v1+s10+$0x0] =	vst.idx.add.s32.msk $0xffff, v0  }
0x37: {  	v1 =	vld [tilespmem:$0xB0];
	_ =	sdelay $0x7  }
0x38: {  	[tilespmem:v1+s10+$0x0] =	vst.idx.add.s32.msk $0xffff, v0  }
0x39: {  	v1 =	vld [tilespmem:$0xC0];
	_ =	sdelay $0x7  }
0x3a: {  	[tilespmem:v1+s10+$0x0] =	vst.idx.add.s32.msk $0xffff, v0  }
0x3b: {  	v1 =	vld [tilespmem:$0xD0];
	_ =	sdelay $0x7  }
0x3c: {  	[tilespmem:v1+s10+$0x0] =	vst.idx.add.s32.msk $0xffff, v0  }
0x3d: {  	v1 =	vld [tilespmem:$0xE0];
	_ =	sdelay $0x7  }
0x3e: {  	[tilespmem:v1+s10+$0x0] =	vst.idx.add.s32.msk $0xffff, v0  }
0x3f: {  	v1 =	vld [tilespmem:$0xF0];
	_ =	sdelay $0x7  }
0x40: {  	[tilespmem:v1+s10+$0x0] =	vst.idx.add.s32.msk $0xffff, v0  }
0x41: {  	[tilespmem:s16], [sflag:$0x1] =	stream.indirect.gather [hbm4b:s3+s11], $0x80, s15, s11, $0xb8;
	[tilespmem:$0x10600] =	vst v63  }
0x42: {  	_ =	swait.ge [sflag:s13], $0x4000  }
0x43: {  	[sflag:s13] =	ssyncset.done $0x0  }
0x44: {  	[sflag:s13] =	ssyncadd.s32 $0xFFFFC000  }
0x45: {  	v1 =	vld [tilespmem:$0x100];
	_ =	sdelay $0x7  }
0x46: {  	[tilespmem:v1+s10+$0x0] =	vst.idx.add.s32.msk $0xffff, v0  }
0x47: {  	v1 =	vld [tilespmem:$0x110];
	_ =	sdelay $0x7  }
0x48: {  	[tilespmem:v1+s10+$0x0] =	vst.idx.add.s32.msk $0xffff, v0  }
0x49: {  	v1 =	vld [tilespmem:$0x120];
	_ =	sdelay $0x7  }
0x4a: {  	[tilespmem:v1+s10+$0x0] =	vst.idx.add.s32.msk $0xffff, v0  }
0x4b: {  	v1 =	vld [tilespmem:$0x130];
	_ =	sdelay $0x7  }
0x4c: {  	[tilespmem:v1+s10+$0x0] =	vst.idx.add.s32.msk $0xffff, v0  }
0x4d: {  	v1 =	vld [tilespmem:$0x140];
	_ =	sdelay $0x7  }
0x4e: {  	[tilespmem:v1+s10+$0x0] =	vst.idx.add.s32.msk $0xffff, v0  }
0x4f: {  	v1 =	vld [tilespmem:$0x150];
	_ =	sdelay $0x7  }
0x50: {  	[tilespmem:v1+s10+$0x0] =	vst.idx.add.s32.msk $0xffff, v0  }
0x51: {  	v1 =	vld [tilespmem:$0x160];
	_ =	sdelay $0x7  }
0x52: {  	[tilespmem:v1+s10+$0x0] =	vst.idx.add.s32.msk $0xffff, v0  }
0x53: {  	v1 =	vld [tilespmem:$0x170];
	_ =	sdelay $0x7  }
0x54: {  	[tilespmem:v1+s10+$0x0] =	vst.idx.add.s32.msk $0xffff, v0  }
0x55: {  	[tilespmem:s18], [sflag:$0x1] =	stream.indirect.gather [hbm4b:s3+s11], $0x80, s17, s11, $0xb8;
	[tilespmem:$0x10600] =	vst v63  }
0x56: {  	_ =	swait.ge [sflag:s13], $0x4000  }
0x57: {  	[sflag:s13] =	ssyncset.done $0x0  }
0x58: {  	[sflag:s13] =	ssyncadd.s32 $0xFFFFC000  }
0x59: {  	v1 =	vld [tilespmem:$0x180];
	_ =	sdelay $0x7  }
0x5a: {  	[tilespmem:v1+s10+$0x0] =	vst.idx.add.s32.msk $0xffff, v0  }
0x5b: {  	v1 =	vld [tilespmem:$0x190];
	_ =	sdelay $0x7  }
0x5c: {  	[tilespmem:v1+s10+$0x0] =	vst.idx.add.s32.msk $0xffff, v0  }
0x5d: {  	v1 =	vld [tilespmem:$0x1A0];
	_ =	sdelay $0x7  }
0x5e: {  	[tilespmem:v1+s10+$0x0] =	vst.idx.add.s32.msk $0xffff, v0  }
0x5f: {  	v1 =	vld [tilespmem:$0x1B0];
	_ =	sdelay $0x7  }
0x60: {  	[tilespmem:v1+s10+$0x0] =	vst.idx.add.s32.msk $0xffff, v0  }
0x61: {  	v1 =	vld [tilespmem:$0x1C0];
	_ =	sdelay $0x7  }
0x62: {  	[tilespmem:v1+s10+$0x0] =	vst.idx.add.s32.msk $0xffff, v0  }
0x63: {  	v1 =	vld [tilespmem:$0x1D0];
	_ =	sdelay $0x7  }
0x64: {  	[tilespmem:v1+s10+$0x0] =	vst.idx.add.s32.msk $0xffff, v0  }
0x65: {  	v1 =	vld [tilespmem:$0x1E0];
	_ =	sdelay $0x7  }
0x66: {  	[tilespmem:v1+s10+$0x0] =	vst.idx.add.s32.msk $0xffff, v0  }
0x67: {  	v1 =	vld [tilespmem:$0x1F0];
	_ =	sdelay $0x7  }
0x68: {  	[tilespmem:v1+s10+$0x0] =	vst.idx.add.s32.msk $0xffff, v0  }
0x69: {  	[hbm4b:s6+s2] =	stream.linear.scatter [tilespmem:s12], [sflag:$0x2], $0x10000, $0x38;
	[tilespmem:$0x10600] =	vst v63  }
0x6a: {  	_ =	swait.ge [sflag:s9], $0x10000  }
0x6b: {  	p0 =	sne.s32 s8, $0x1;
	[sflag:s9] =	ssyncset.done $0x0  }
.Ltmp0:
0x6c: {  	[sflag:s9] =	ssyncadd.s32 $0xFFFF0000;
	(pc) =	sbr.rel @p0 .LBB2_1-.Ltmp0, $4  }
0x6d: {  	[hbm4b:s7+s11] =	stream.strided.scatter [tilespmem:s10], [sflag:$0x2], $0x400, s19, s11, $0x38;
	[tilespmem:$0x10600] =	vst v63  }
0x6e: {  	_ =	swait.ge [sflag:s9], $0x400  }
0x6f: {  	[sflag:s9] =	ssyncset.done $0x0  }
0x70: {  	s8 =	sadd.s32 $0xFFFFFFFF, s8;
	[sflag:s9] =	ssyncadd.s32 $0xFFFFFC00  }
0x71: {  	_ =	sfence.sel $0x180000  }
0x72: {  	[bflag:$0x0] =	sbarrier.arrive $0xFFFF  }
0x73: {  	p0 =	sne.s32 s1, $0x0;
	_ =	strace $0x90000047  }
0x74: {  	s0 =	sadd.s32 @!p0 $0x100000, s0;
	[bflag:$0x2] =	sbarrier.arrive $0xFFFF  }
0x75: {  	[sflag:s0] =	ssyncadd.tile.s32 @!p0 $0x1;
	_ =	shalt  }
.Lfunc_end2:
_tile_overlayer_lowered:
.L_overlay_start_2:
0x76: {  	(tag) =	ssettag $0x2  }
0x77: {  	s0 =	rddreg [dreg:$0x0];
	s2 =	stileid.u32  }
0x78: {  	s1 =	rddreg [dreg:$0x1];
	p0 =	sne.s32 s2, $0x0  }
0x79: {  	s3 =	rddreg [dreg:$0x2];
	[bflag:$0x3] =	sbarrier.arrive $0xFFFF;
	s2 =	simm.s32 @!p0 $0x1C02  }
0x7a: {  	[timem:s3], [sflag:s2] =	dma.local @!p0 [hbm:s0], s1  }
0x7b: {  	s0 =	simm.s32 @!p0 $0x2  }
0x7c: {  	_ =	swait.ge @!p0 [sflag:s0], s1  }
0x7d: {  	s1 =	ssub.s32 @!p0 $0x0, s1;
	[sflag:s0] =	ssyncset.done @!p0 $0x0  }
0x7e: {  	[sflag:s0] =	ssyncadd.s32 @!p0 s1  }
0x7f: {  	[bflag:$0x3] =	sbarrier.arrive $0xFFFF  }
0x80: {  	_ =	shalt  }

</sc_bundles>
